<compile_context>
chip_gen: v7x
topology: tpu7x:2x2x1
jax: 0.10.2.dev20260603
libtpu: 0.0.44.dev20260713+nightly
codegen_flags: <defaults>
</compile_context>

<pallas_src>
import jax
import jax.numpy as jnp
from jax import lax
from jax.experimental import pallas as pl
from jax.experimental.pallas import tpu as pltpu

_DIM = 8
_CB = 512
_NQ = 16
_NR = 32
_LOGVAR_MIN = -30.0
_LOGVAR_MAX = 20.0
_KL_SCALE = 1.4426 * 0.5


def _body(z_ref, w_ref, p_ref, zhat_ref, idx_ref, kl_ref):
    zb = z_ref[0]
    mu = zb[0:16, :]
    lv = zb[16:32, :]
    lvc = jnp.clip(lv, _LOGVAR_MIN, _LOGVAR_MAX)
    var = jnp.exp(lvc)
    inv = 1.0 / var
    acts = jnp.concatenate([0.5 - 0.5 * inv, mu * inv], axis=0)
    a_hi = acts.astype(jnp.bfloat16)
    rem1 = acts - a_hi.astype(jnp.float32)
    a_mid = rem1.astype(jnp.bfloat16)
    a_lo = (rem1 - a_mid.astype(jnp.float32)).astype(jnp.bfloat16)
    a_big = jnp.concatenate(
        [a_hi, a_hi, a_mid, a_mid, a_hi, a_lo], axis=0)
    score = lax.dot_general(
        w_ref[...], a_big, (((1,), (0,)), ((), ())),
        preferred_element_type=jnp.float32)
    blk = score.shape[1]
    iota = lax.broadcasted_iota(jnp.int32, (_CB, blk), 0)
    s0 = score[0:_CB, :]
    s1 = score[_CB:2 * _CB, :]
    m0 = jnp.max(s0, axis=0, keepdims=True)
    m1 = jnp.max(s1, axis=0, keepdims=True)
    idx0 = jnp.min(jnp.where(s0 == m0, iota, _CB), axis=0)
    idx1 = jnp.min(jnp.where(s1 == m1, iota, _CB), axis=0)
    idx_ref[0, 0, :] = idx0
    idx_ref[0, 1, :] = idx1

    iota_r = lax.broadcasted_iota(jnp.int32, (_NR, blk), 0)
    ohr0 = (iota_r == (idx0 & (_NR - 1))[None, :]).astype(jnp.bfloat16)
    ohr1 = (iota_r == (idx1 & (_NR - 1))[None, :]).astype(jnp.bfloat16)
    ohfull = jnp.concatenate([ohr0, ohr1, ohr0, ohr1], axis=0)
    u_int = lax.dot_general(
        p_ref[...], ohfull, (((1,), (0,)), ((), ())),
        preferred_element_type=jnp.float32)
    parity = lax.broadcasted_iota(jnp.int32, (16, blk), 0) & 1
    q0_b = jnp.broadcast_to((idx0 >> 5)[None, :], (16, blk))
    q1_b = jnp.broadcast_to((idx1 >> 5)[None, :], (16, blk))
    q_int = jnp.where(parity == 1, q1_b, q0_b)
    lvl = [u_int[qq * 16:(qq + 1) * 16, :] for qq in range(_NQ)]
    bit = 1
    while len(lvl) > 1:
        pick = (q_int & bit) != 0
        lvl = [jnp.where(pick, hi, lo) for lo, hi in zip(lvl[::2], lvl[1::2])]
        bit <<= 1
    zhat_ref[0] = lvl[0]

    part = jnp.sum(mu * mu + var - 1.0 - lvc)

    @pl.when(jnp.logical_and(pl.program_id(0) == 0, pl.program_id(1) == 0))
    def _init():
        kl_ref[...] = jnp.zeros_like(kl_ref)

    kl_ref[...] += part


def _codebook_mats(prior_samples):
    ps = prior_samples.astype(jnp.float32)
    ps2 = ps * ps
    j = jnp.arange(16)
    dsel = j // 2
    par = j % 2
    gsel = jnp.arange(2)[:, None, None]
    wa = jnp.where(par[None, None, :] == gsel, ps2[:, dsel][None], 0.0)
    wb = jnp.where(par[None, None, :] == gsel, ps[:, dsel][None], 0.0)
    w_int = jnp.concatenate(
        [wa.reshape(2 * _CB, 16), wb.reshape(2 * _CB, 16)], axis=1)
    w_hi = w_int.astype(jnp.bfloat16)
    wrem = w_int - w_hi.astype(jnp.float32)
    w_mid = wrem.astype(jnp.bfloat16)
    w_lo = (wrem - w_mid.astype(jnp.float32)).astype(jnp.bfloat16)
    w_big = jnp.concatenate(
        [w_hi, w_mid, w_hi, w_mid, w_lo, w_hi], axis=1)

    arr = ps.reshape(_NQ, _NR, _DIM)
    pq = arr[:, :, dsel]
    parr = (jnp.arange(2)[None, :, None, None] == par[None, None, None, :])
    p2 = jnp.where(parr, pq[:, None, :, :], 0.0)
    p_base = p2.transpose(0, 3, 1, 2).reshape(_NQ * 16, 2 * _NR)
    p_hi = p_base.astype(jnp.bfloat16)
    p_lo = (p_base - p_hi.astype(jnp.float32)).astype(jnp.bfloat16)
    p_full = jnp.concatenate([p_hi, p_lo], axis=1)
    return w_big, p_full


def kernel(z, prior_samples):
    batch, chans, hh, ww = z.shape
    spatial = hh * ww
    blk = 4096
    zr = z.reshape(batch, chans, spatial)
    w_big, p_full = _codebook_mats(prior_samples)
    grid = (batch, spatial // blk)
    zhat3, idx3, klsum = pl.pallas_call(
        _body,
        grid=grid,
        in_specs=[
            pl.BlockSpec((1, chans, blk), lambda b, s: (b, 0, s)),
            pl.BlockSpec((2 * _CB, 192), lambda b, s: (0, 0)),
            pl.BlockSpec((_NQ * 16, 128), lambda b, s: (0, 0)),
        ],
        out_specs=[
            pl.BlockSpec((1, 16, blk), lambda b, s: (b, 0, s)),
            pl.BlockSpec((1, 2, blk), lambda b, s: (b, 0, s)),
            pl.BlockSpec((1, 1), lambda b, s: (0, 0)),
        ],
        out_shape=[
            jax.ShapeDtypeStruct((batch, 16, spatial), jnp.float32),
            jax.ShapeDtypeStruct((batch, 2, spatial), jnp.int32),
            jax.ShapeDtypeStruct((1, 1), jnp.float32),
        ],
    )(zr, w_big, p_full)
    zhat = zhat3.reshape(batch, 16, hh, ww)
    indices = idx3.reshape(batch, 2, hh, ww)
    kl_loss = klsum[0, 0] * jnp.float32(_KL_SCALE / (batch * spatial * 2))
    return (zhat, kl_loss, indices)


import functools
from jax.experimental.pallas import tpu_sc as plsc


def _body_nogather(z_ref, w_ref, idx_ref, kl_ref):
    zb = z_ref[0]
    mu = zb[0:16, :]
    lv = zb[16:32, :]
    lvc = jnp.clip(lv, _LOGVAR_MIN, _LOGVAR_MAX)
    var = jnp.exp(lvc)
    inv = 1.0 / var
    acts = jnp.concatenate([0.5 - 0.5 * inv, mu * inv], axis=0)
    a_hi = acts.astype(jnp.bfloat16)
    rem1 = acts - a_hi.astype(jnp.float32)
    a_mid = rem1.astype(jnp.bfloat16)
    a_lo = (rem1 - a_mid.astype(jnp.float32)).astype(jnp.bfloat16)
    a_big = jnp.concatenate([a_hi, a_hi, a_mid, a_mid, a_hi, a_lo], axis=0)
    score = lax.dot_general(
        w_ref[...], a_big, (((1,), (0,)), ((), ())),
        preferred_element_type=jnp.float32)
    blk = score.shape[1]
    iota = lax.broadcasted_iota(jnp.int32, (_CB, blk), 0)
    s0 = score[0:_CB, :]
    s1 = score[_CB:2 * _CB, :]
    m0 = jnp.max(s0, axis=0, keepdims=True)
    m1 = jnp.max(s1, axis=0, keepdims=True)
    idx_ref[0, 0, :] = jnp.min(jnp.where(s0 == m0, iota, _CB), axis=0)
    idx_ref[0, 1, :] = jnp.min(jnp.where(s1 == m1, iota, _CB), axis=0)
    part = jnp.sum(mu * mu + var - 1.0 - lvc)

    @pl.when(jnp.logical_and(pl.program_id(0) == 0, pl.program_id(1) == 0))
    def _init():
        kl_ref[...] = jnp.zeros_like(kl_ref)

    kl_ref[...] += part


def _make_sc_gather(n_tokens):
    info = plsc.get_sparse_core_info()
    nw = info.num_cores * info.num_subcores
    per_w = n_tokens // nw
    n_el = per_w * _DIM
    mesh = plsc.VectorSubcoreMesh(core_axis_name="c", subcore_axis_name="s")

    @functools.partial(
        pl.kernel, mesh=mesh,
        compiler_params=pltpu.CompilerParams(needs_layout_passes=False),
        out_type=[jax.ShapeDtypeStruct((n_tokens * _DIM,), jnp.float32),
                  jax.ShapeDtypeStruct((n_tokens * _DIM,), jnp.float32)],
        scratch_types=[
            pltpu.VMEM((_CB * _DIM,), jnp.float32),
            pltpu.VMEM((per_w,), jnp.int32),
            pltpu.VMEM((per_w,), jnp.int32),
            pltpu.VMEM((n_el,), jnp.float32),
            pltpu.VMEM((n_el,), jnp.float32),
        ],
    )
    def sc_gather(table_hbm, i0_hbm, i1_hbm, o0_hbm, o1_hbm,
                  tab_v, i0_v, i1_v, r0_v, r1_v):
        wid = lax.axis_index("s") * info.num_cores + lax.axis_index("c")
        base = wid * per_w
        pltpu.sync_copy(table_hbm, tab_v)
        pltpu.sync_copy(i0_hbm.at[pl.ds(base, per_w)], i0_v)
        pltpu.sync_copy(i1_hbm.at[pl.ds(base, per_w)], i1_v)
        lanes = lax.iota(jnp.int32, 16)

        def step(v, _):
            p0 = v * 16
            pos = p0 + lanes
            tvec = pos >> 3
            dvec = pos & 7
            t0 = plsc.load_gather(i0_v, [tvec])
            r0_v[pl.ds(p0, 16)] = plsc.load_gather(tab_v, [t0 * _DIM + dvec])
            t1 = plsc.load_gather(i1_v, [tvec])
            r1_v[pl.ds(p0, 16)] = plsc.load_gather(tab_v, [t1 * _DIM + dvec])
            return _

        lax.fori_loop(0, n_el // 16, step, 0, unroll=8)
        pltpu.sync_copy(r0_v, o0_hbm.at[pl.ds(base * _DIM, n_el)])
        pltpu.sync_copy(r1_v, o1_hbm.at[pl.ds(base * _DIM, n_el)])

    return sc_gather


def _kernel_sc_variant(z, prior_samples):
    batch, chans, hh, ww = z.shape
    spatial = hh * ww
    blk = 4096
    zr = z.reshape(batch, chans, spatial)
    w_big, _ = _codebook_mats(prior_samples)
    grid = (batch, spatial // blk)
    idx3, klsum = pl.pallas_call(
        _body_nogather,
        grid=grid,
        in_specs=[
            pl.BlockSpec((1, chans, blk), lambda b, s: (b, 0, s)),
            pl.BlockSpec((2 * _CB, 192), lambda b, s: (0, 0)),
        ],
        out_specs=[
            pl.BlockSpec((1, 2, blk), lambda b, s: (b, 0, s)),
            pl.BlockSpec((1, 1), lambda b, s: (0, 0)),
        ],
        out_shape=[
            jax.ShapeDtypeStruct((batch, 2, spatial), jnp.int32),
            jax.ShapeDtypeStruct((1, 1), jnp.float32),
        ],
    )(zr, w_big)
    n_tokens = batch * spatial
    i0 = idx3[:, 0, :].reshape(n_tokens)
    i1 = idx3[:, 1, :].reshape(n_tokens)
    table = prior_samples.astype(jnp.float32).reshape(_CB * _DIM)
    o0, o1 = _make_sc_gather(n_tokens)(table, i0, i1)
    z0 = o0.reshape(batch, spatial, _DIM)
    z1 = o1.reshape(batch, spatial, _DIM)
    zh = jnp.stack([z0, z1], axis=-1).reshape(batch, spatial, 16)
    zhat = zh.transpose(0, 2, 1).reshape(batch, 16, hh, ww)
    indices = idx3.reshape(batch, 2, hh, ww)
    kl_loss = klsum[0, 0] * jnp.float32(_KL_SCALE / (batch * spatial * 2))
    return (zhat, kl_loss, indices)


kernel = _kernel_sc_variant

# --- scband reference (transcript-rebuilt; emitter-appended) ---
"""Pipeline reference for scband-gaussian-quant-58952721105342 (READ-ONLY COPY).

The authoritative reference and input builder live on the scoring server;
editing this copy changes nothing except your own understanding.
"""

import jax, jax.numpy as jnp
import numpy as np
import math

DIM = 8
DIM_IDX = 1
CODEBOOK_SIZE = 512
LOG_N = int(math.log(CODEBOOK_SIZE, 2))
TOL = 0.5
BETA = 1.0
LOGVAR_MIN, LOGVAR_MAX = -30.0, 20.0
LAM = 1.0
LAM_MIN = 1.0
LAM_MAX = 1.0
LOG_SQRT_2PI = 0.5 * math.log(2.0 * math.pi)


def setup_inputs(seed: int = 0) -> dict:
    key = jax.random.key(seed)
    k1, k2 = jax.random.split(key)
    z = jax.random.normal(k1, (8, 32, 64, 64), dtype=jnp.float32)
    prior_samples = jax.random.normal(k2, (CODEBOOK_SIZE, DIM), dtype=jnp.float32)
    return {"z": z, "prior_samples": prior_samples}


def _forward(z, prior_samples):
    # ---- quant_gaussian ----
    zt = jnp.moveaxis(z, DIM_IDX, -1)
    z_shape = zt.shape
    zf = zt.reshape(-1, z_shape[-1])
    codebook_num = zf.shape[-1] // (DIM * 2)
    mu, logvar = jnp.split(zf, 2, axis=-1)
    logvar = jnp.clip(logvar, LOGVAR_MIN, LOGVAR_MAX)
    std = jnp.exp(0.5 * logvar)
    var = jnp.exp(logvar)
    noise = jax.random.normal(jax.random.key(1), mu.shape, dtype=mu.dtype)
    zhat_g = mu + noise * std
    kl2 = 1.4426 * 0.5 * (mu ** 2 + var - 1.0 - logvar)
    kl2 = kl2.reshape(-1, DIM, codebook_num).sum(axis=1)
    ge = (kl2 > LOG_N + TOL).astype(kl2.dtype) * LAM_MAX
    eq = (kl2 <= LOG_N + TOL).astype(kl2.dtype) * (kl2 >= LOG_N - TOL).astype(kl2.dtype)
    le = (kl2 < LOG_N - TOL).astype(kl2.dtype) * LAM_MIN
    kl_loss = jnp.mean(ge * kl2 + eq * kl2 + le * kl2) * LAM
    kl_loss = jnp.mean(kl_loss)
    zhat_g_full = jnp.moveaxis(zhat_g.reshape(*z_shape[:-1], -1), -1, DIM_IDX)

    # ---- quant_vq (no grad in original: stop_gradient everywhere) ----
    mu_v = jax.lax.stop_gradient(mu).reshape(-1, DIM, codebook_num).transpose(0, 2, 1).reshape(-1, DIM)
    std_v = jax.lax.stop_gradient(std).reshape(-1, DIM, codebook_num).transpose(0, 2, 1).reshape(-1, DIM)
    ps = jax.lax.stop_gradient(prior_samples)
    normal_log_prob = -0.5 * ps ** 2 - LOG_SQRT_2PI
    n = mu_v.shape[0]
    bs = n // 8
    zhat_chunks = []
    idx_chunks = []
    for i in range(0, n, bs):
        mu_q = mu_v[i:i + bs]
        std_q = std_v[i:i + bs]
        q_log_prob = (-((ps[None, :, :] - mu_q[:, None, :]) ** 2) / (2.0 * std_q[:, None, :] ** 2)
                      - jnp.log(std_q[:, None, :]) - LOG_SQRT_2PI)
        log_ratios = q_log_prob - normal_log_prob[None] * BETA
        perturbed = jnp.sum(log_ratios, axis=2)
        argmax_indices = jnp.argmax(perturbed, axis=1)
        zhat_chunks.append(jnp.take(ps, argmax_indices, axis=0))
        idx_chunks.append(argmax_indices)
    zhat_v = jnp.concatenate(zhat_chunks, axis=0)
    indices = jnp.concatenate(idx_chunks, axis=0)
    zhat_v = zhat_v.reshape(-1, codebook_num, DIM).transpose(0, 2, 1).reshape(-1, codebook_num * DIM).astype(jnp.float32)
    indices = indices.reshape(-1, codebook_num)
    zhat_v_full = jnp.moveaxis(zhat_v.reshape(*z_shape[:-1], -1), -1, DIM_IDX)
    indices_full = jnp.moveaxis(indices.reshape(*z_shape[:-1], -1), -1, DIM_IDX)

    # ---- STE combine ----
    zhat = zhat_g_full - jax.lax.stop_gradient(zhat_g_full) + zhat_v_full
    return zhat, kl_loss, indices_full


def reference(z, prior_samples):
    zhat, kl_loss, indices = _forward(z, prior_samples)
    return (zhat, kl_loss, indices)

if __name__ == "__main__":
    import jax
    _d = setup_inputs()
    print(jax.jit(kernel)(*tuple(_d.values())))

</pallas_src>

<mosaic_0001>
#map = affine_map<(d0, d1) -> (0)>
module attributes {stable_mosaic.version = 14 : i64} {
  func.func @sc_gather(%arg0: i32, %arg1: i32, %arg2: memref<4096xf32, #tpu.memory_space<hbm>>, %arg3: memref<32768xi32, #tpu.memory_space<hbm>>, %arg4: memref<32768xi32, #tpu.memory_space<hbm>>, %arg5: memref<262144xf32, #tpu.memory_space<hbm>>, %arg6: memref<262144xf32, #tpu.memory_space<hbm>>, %arg7: memref<4096xf32, #tpu.memory_space<vmem>>, %arg8: memref<1024xi32, #tpu.memory_space<vmem>>, %arg9: memref<1024xi32, #tpu.memory_space<vmem>>, %arg10: memref<8192xf32, #tpu.memory_space<vmem>>, %arg11: memref<8192xf32, #tpu.memory_space<vmem>>) attributes {dimension_semantics = [#tpu.dimension_semantics<core_parallel>, #tpu.dimension_semantics<subcore_parallel>], iteration_bounds = array<i64: 2, 16>, scalar_prefetch = 0 : i64, scratch_operands = 5 : i64, tpu.core_type = #tpu.core_type<sc_vector_subcore>, window_params = [{transform_indices = #map}, {transform_indices = #map}, {transform_indices = #map}, {transform_indices = #map}, {transform_indices = #map}]} {
    %mul3A = arith.constant 2 : i32
    %mul3A_0 = arith.muli %arg1, %mul3A : i32
    %add3A = arith.addi %mul3A_0, %arg0 : i32
    %mul3A_1 = arith.constant 1024 : i32
    %mul3A_2 = arith.muli %add3A, %mul3A_1 : i32
    "tpu.region"() ({
      %run_scoped3A = tpu.sem_alloc : memref<!tpu.dma_semaphore, #tpu.memory_space<semaphore_mem>>
      tpu.enqueue_dma source(%arg2 : memref<4096xf32, #tpu.memory_space<hbm>>) target(%arg7 : memref<4096xf32, #tpu.memory_space<vmem>>) target_semaphore(%run_scoped3A : memref<!tpu.dma_semaphore, #tpu.memory_space<semaphore_mem>>)
      tpu.wait_dma2 semaphore(%run_scoped3A : memref<!tpu.dma_semaphore, #tpu.memory_space<semaphore_mem>>) src(%arg2 : memref<4096xf32, #tpu.memory_space<hbm>>) dst(%arg7 : memref<4096xf32, #tpu.memory_space<vmem>>)
      tpu.yield
    }) : () -> ()
    "tpu.region"() ({
      %run_scoped3A = tpu.sem_alloc : memref<!tpu.dma_semaphore, #tpu.memory_space<semaphore_mem>>
      %dma_start3A = tpu.memref_slice %arg3[%mul3A_2] : memref<32768xi32, #tpu.memory_space<hbm>> -> memref<1024xi32, #tpu.memory_space<hbm>>
      %dma_start3A_12 = tpu.memref_slice %arg3[%mul3A_2] : memref<32768xi32, #tpu.memory_space<hbm>> -> memref<1024xi32, #tpu.memory_space<hbm>>
      tpu.enqueue_dma source(%dma_start3A_12 : memref<1024xi32, #tpu.memory_space<hbm>>) target(%arg8 : memref<1024xi32, #tpu.memory_space<vmem>>) target_semaphore(%run_scoped3A : memref<!tpu.dma_semaphore, #tpu.memory_space<semaphore_mem>>)
      %dma_wait3A = tpu.memref_slice %arg3[%mul3A_2] : memref<32768xi32, #tpu.memory_space<hbm>> -> memref<1024xi32, #tpu.memory_space<hbm>>
      %dma_wait3A_13 = tpu.memref_slice %arg3[%mul3A_2] : memref<32768xi32, #tpu.memory_space<hbm>> -> memref<1024xi32, #tpu.memory_space<hbm>>
      tpu.wait_dma2 semaphore(%run_scoped3A : memref<!tpu.dma_semaphore, #tpu.memory_space<semaphore_mem>>) src(%dma_wait3A_13 : memref<1024xi32, #tpu.memory_space<hbm>>) dst(%arg8 : memref<1024xi32, #tpu.memory_space<vmem>>)
      tpu.yield
    }) : () -> ()
    "tpu.region"() ({
      %run_scoped3A = tpu.sem_alloc : memref<!tpu.dma_semaphore, #tpu.memory_space<semaphore_mem>>
      %dma_start3A = tpu.memref_slice %arg4[%mul3A_2] : memref<32768xi32, #tpu.memory_space<hbm>> -> memref<1024xi32, #tpu.memory_space<hbm>>
      %dma_start3A_12 = tpu.memref_slice %arg4[%mul3A_2] : memref<32768xi32, #tpu.memory_space<hbm>> -> memref<1024xi32, #tpu.memory_space<hbm>>
      tpu.enqueue_dma source(%dma_start3A_12 : memref<1024xi32, #tpu.memory_space<hbm>>) target(%arg9 : memref<1024xi32, #tpu.memory_space<vmem>>) target_semaphore(%run_scoped3A : memref<!tpu.dma_semaphore, #tpu.memory_space<semaphore_mem>>)
      %dma_wait3A = tpu.memref_slice %arg4[%mul3A_2] : memref<32768xi32, #tpu.memory_space<hbm>> -> memref<1024xi32, #tpu.memory_space<hbm>>
      %dma_wait3A_13 = tpu.memref_slice %arg4[%mul3A_2] : memref<32768xi32, #tpu.memory_space<hbm>> -> memref<1024xi32, #tpu.memory_space<hbm>>
      tpu.wait_dma2 semaphore(%run_scoped3A : memref<!tpu.dma_semaphore, #tpu.memory_space<semaphore_mem>>) src(%dma_wait3A_13 : memref<1024xi32, #tpu.memory_space<hbm>>) dst(%arg9 : memref<1024xi32, #tpu.memory_space<vmem>>)
      tpu.yield
    }) : () -> ()
    %iota3A = tpu.iota {dimensions = array<i32: 0>} : vector<16xi32>
    %scan3A = arith.constant 0 : i32
    %scan3A_3 = arith.constant 0 : i32
    %scan3A_4 = arith.constant 512 : i32
    %scan3A_5 = arith.addi %scan3A_3, %scan3A_4 : i32
    %scan3A_6 = arith.constant 8 : i32
    scf.for %scan3A_12 = %scan3A_3 to %scan3A_5 step %scan3A_6  : i32 {
      %mul3A_13 = arith.constant 16 : i32
      %mul3A_14 = arith.muli %scan3A_12, %mul3A_13 : i32
      %add3A_15 = vector.broadcast %mul3A_14 : i32 to vector<16xi32>
      %add3A_16 = arith.addi %add3A_15, %iota3A : vector<16xi32>
      %shift_right_arithmetic3A = arith.constant 3 : i32
      %shift_right_arithmetic3A_17 = vector.broadcast %shift_right_arithmetic3A : i32 to vector<16xi32>
      %shift_right_arithmetic3A_18 = arith.shrsi %add3A_16, %shift_right_arithmetic3A_17 : vector<16xi32>
      %and3A = arith.constant 7 : i32
      %and3A_19 = vector.broadcast %and3A : i32 to vector<16xi32>
      %and3A_20 = arith.andi %add3A_16, %and3A_19 : vector<16xi32>
      %gather3A = tpu.vector_load_idx %arg8[%shift_right_arithmetic3A_18] : memref<1024xi32, #tpu.memory_space<vmem>>[vector<16xi32>], vector<16xi32>,
      %mul3A_21 = arith.constant 8 : i32
      %mul3A_22 = vector.broadcast %mul3A_21 : i32 to vector<16xi32>
      %mul3A_23 = arith.muli %gather3A, %mul3A_22 : vector<16xi32>
      %add3A_24 = arith.addi %mul3A_23, %and3A_20 : vector<16xi32>
      %gather3A_25 = tpu.vector_load_idx %arg7[%add3A_24] : memref<4096xf32, #tpu.memory_space<vmem>>[vector<16xi32>], vector<16xf32>,
      %swap3A = arith.index_cast %mul3A_14 : i32 to index
      %swap3A_26 = tpu.vector_load %arg10[%swap3A] {strides = array<i32>} : memref<8192xf32, #tpu.memory_space<vmem>>, vector<16xf32>,
      tpu.vector_store %arg10[%swap3A], %gather3A_25 {strides = array<i32>} : memref<8192xf32, #tpu.memory_space<vmem>>, vector<16xf32>,
      %gather3A_27 = tpu.vector_load_idx %arg9[%shift_right_arithmetic3A_18] : memref<1024xi32, #tpu.memory_space<vmem>>[vector<16xi32>], vector<16xi32>,
      %mul3A_28 = arith.constant 8 : i32
      %mul3A_29 = vector.broadcast %mul3A_28 : i32 to vector<16xi32>
      %mul3A_30 = arith.muli %gather3A_27, %mul3A_29 : vector<16xi32>
      %add3A_31 = arith.addi %mul3A_30, %and3A_20 : vector<16xi32>
      %gather3A_32 = tpu.vector_load_idx %arg7[%add3A_31] : memref<4096xf32, #tpu.memory_space<vmem>>[vector<16xi32>], vector<16xf32>,
      %swap3A_33 = arith.index_cast %mul3A_14 : i32 to index
      %swap3A_34 = tpu.vector_load %arg11[%swap3A_33] {strides = array<i32>} : memref<8192xf32, #tpu.memory_space<vmem>>, vector<16xf32>,
      tpu.vector_store %arg11[%swap3A_33], %gather3A_32 {strides = array<i32>} : memref<8192xf32, #tpu.memory_space<vmem>>, vector<16xf32>,
      %scan3A_35 = arith.constant 1 : i32
      %scan3A_36 = arith.addi %scan3A_12, %scan3A_35 : i32
      %mul3A_37 = arith.constant 16 : i32
      %mul3A_38 = arith.muli %scan3A_36, %mul3A_37 : i32
      %add3A_39 = vector.broadcast %mul3A_38 : i32 to vector<16xi32>
      %add3A_40 = arith.addi %add3A_39, %iota3A : vector<16xi32>
      %shift_right_arithmetic3A_41 = arith.constant 3 : i32
      %shift_right_arithmetic3A_42 = vector.broadcast %shift_right_arithmetic3A_41 : i32 to vector<16xi32>
      %shift_right_arithmetic3A_43 = arith.shrsi %add3A_40, %shift_right_arithmetic3A_42 : vector<16xi32>
      %and3A_44 = arith.constant 7 : i32
      %and3A_45 = vector.broadcast %and3A_44 : i32 to vector<16xi32>
      %and3A_46 = arith.andi %add3A_40, %and3A_45 : vector<16xi32>
      %gather3A_47 = tpu.vector_load_idx %arg8[%shift_right_arithmetic3A_43] : memref<1024xi32, #tpu.memory_space<vmem>>[vector<16xi32>], vector<16xi32>,
      %mul3A_48 = arith.constant 8 : i32
      %mul3A_49 = vector.broadcast %mul3A_48 : i32 to vector<16xi32>
      %mul3A_50 = arith.muli %gather3A_47, %mul3A_49 : vector<16xi32>
      %add3A_51 = arith.addi %mul3A_50, %and3A_46 : vector<16xi32>
      %gather3A_52 = tpu.vector_load_idx %arg7[%add3A_51] : memref<4096xf32, #tpu.memory_space<vmem>>[vector<16xi32>], vector<16xf32>,
      %swap3A_53 = arith.index_cast %mul3A_38 : i32 to index
      %swap3A_54 = tpu.vector_load %arg10[%swap3A_53] {strides = array<i32>} : memref<8192xf32, #tpu.memory_space<vmem>>, vector<16xf32>,
      tpu.vector_store %arg10[%swap3A_53], %gather3A_52 {strides = array<i32>} : memref<8192xf32, #tpu.memory_space<vmem>>, vector<16xf32>,
      %gather3A_55 = tpu.vector_load_idx %arg9[%shift_right_arithmetic3A_43] : memref<1024xi32, #tpu.memory_space<vmem>>[vector<16xi32>], vector<16xi32>,
      %mul3A_56 = arith.constant 8 : i32
      %mul3A_57 = vector.broadcast %mul3A_56 : i32 to vector<16xi32>
      %mul3A_58 = arith.muli %gather3A_55, %mul3A_57 : vector<16xi32>
      %add3A_59 = arith.addi %mul3A_58, %and3A_46 : vector<16xi32>
      %gather3A_60 = tpu.vector_load_idx %arg7[%add3A_59] : memref<4096xf32, #tpu.memory_space<vmem>>[vector<16xi32>], vector<16xf32>,
      %swap3A_61 = arith.index_cast %mul3A_38 : i32 to index
      %swap3A_62 = tpu.vector_load %arg11[%swap3A_61] {strides = array<i32>} : memref<8192xf32, #tpu.memory_space<vmem>>, vector<16xf32>,
      tpu.vector_store %arg11[%swap3A_61], %gather3A_60 {strides = array<i32>} : memref<8192xf32, #tpu.memory_space<vmem>>, vector<16xf32>,
      %scan3A_63 = arith.constant 2 : i32
      %scan3A_64 = arith.addi %scan3A_12, %scan3A_63 : i32
      %mul3A_65 = arith.constant 16 : i32
      %mul3A_66 = arith.muli %scan3A_64, %mul3A_65 : i32
      %add3A_67 = vector.broadcast %mul3A_66 : i32 to vector<16xi32>
      %add3A_68 = arith.addi %add3A_67, %iota3A : vector<16xi32>
      %shift_right_arithmetic3A_69 = arith.constant 3 : i32
      %shift_right_arithmetic3A_70 = vector.broadcast %shift_right_arithmetic3A_69 : i32 to vector<16xi32>
      %shift_right_arithmetic3A_71 = arith.shrsi %add3A_68, %shift_right_arithmetic3A_70 : vector<16xi32>
      %and3A_72 = arith.constant 7 : i32
      %and3A_73 = vector.broadcast %and3A_72 : i32 to vector<16xi32>
      %and3A_74 = arith.andi %add3A_68, %and3A_73 : vector<16xi32>
      %gather3A_75 = tpu.vector_load_idx %arg8[%shift_right_arithmetic3A_71] : memref<1024xi32, #tpu.memory_space<vmem>>[vector<16xi32>], vector<16xi32>,
      %mul3A_76 = arith.constant 8 : i32
      %mul3A_77 = vector.broadcast %mul3A_76 : i32 to vector<16xi32>
      %mul3A_78 = arith.muli %gather3A_75, %mul3A_77 : vector<16xi32>
      %add3A_79 = arith.addi %mul3A_78, %and3A_74 : vector<16xi32>
      %gather3A_80 = tpu.vector_load_idx %arg7[%add3A_79] : memref<4096xf32, #tpu.memory_space<vmem>>[vector<16xi32>], vector<16xf32>,
      %swap3A_81 = arith.index_cast %mul3A_66 : i32 to index
      %swap3A_82 = tpu.vector_load %arg10[%swap3A_81] {strides = array<i32>} : memref<8192xf32, #tpu.memory_space<vmem>>, vector<16xf32>,
      tpu.vector_store %arg10[%swap3A_81], %gather3A_80 {strides = array<i32>} : memref<8192xf32, #tpu.memory_space<vmem>>, vector<16xf32>,
      %gather3A_83 = tpu.vector_load_idx %arg9[%shift_right_arithmetic3A_71] : memref<1024xi32, #tpu.memory_space<vmem>>[vector<16xi32>], vector<16xi32>,
      %mul3A_84 = arith.constant 8 : i32
      %mul3A_85 = vector.broadcast %mul3A_84 : i32 to vector<16xi32>
      %mul3A_86 = arith.muli %gather3A_83, %mul3A_85 : vector<16xi32>
      %add3A_87 = arith.addi %mul3A_86, %and3A_74 : vector<16xi32>
      %gather3A_88 = tpu.vector_load_idx %arg7[%add3A_87] : memref<4096xf32, #tpu.memory_space<vmem>>[vector<16xi32>], vector<16xf32>,
      %swap3A_89 = arith.index_cast %mul3A_66 : i32 to index
      %swap3A_90 = tpu.vector_load %arg11[%swap3A_89] {strides = array<i32>} : memref<8192xf32, #tpu.memory_space<vmem>>, vector<16xf32>,
      tpu.vector_store %arg11[%swap3A_89], %gather3A_88 {strides = array<i32>} : memref<8192xf32, #tpu.memory_space<vmem>>, vector<16xf32>,
      %scan3A_91 = arith.constant 3 : i32
      %scan3A_92 = arith.addi %scan3A_12, %scan3A_91 : i32
      %mul3A_93 = arith.constant 16 : i32
      %mul3A_94 = arith.muli %scan3A_92, %mul3A_93 : i32
      %add3A_95 = vector.broadcast %mul3A_94 : i32 to vector<16xi32>
      %add3A_96 = arith.addi %add3A_95, %iota3A : vector<16xi32>
      %shift_right_arithmetic3A_97 = arith.constant 3 : i32
      %shift_right_arithmetic3A_98 = vector.broadcast %shift_right_arithmetic3A_97 : i32 to vector<16xi32>
      %shift_right_arithmetic3A_99 = arith.shrsi %add3A_96, %shift_right_arithmetic3A_98 : vector<16xi32>
      %and3A_100 = arith.constant 7 : i32
      %and3A_101 = vector.broadcast %and3A_100 : i32 to vector<16xi32>
      %and3A_102 = arith.andi %add3A_96, %and3A_101 : vector<16xi32>
      %gather3A_103 = tpu.vector_load_idx %arg8[%shift_right_arithmetic3A_99] : memref<1024xi32, #tpu.memory_space<vmem>>[vector<16xi32>], vector<16xi32>,
      %mul3A_104 = arith.constant 8 : i32
      %mul3A_105 = vector.broadcast %mul3A_104 : i32 to vector<16xi32>
      %mul3A_106 = arith.muli %gather3A_103, %mul3A_105 : vector<16xi32>
      %add3A_107 = arith.addi %mul3A_106, %and3A_102 : vector<16xi32>
      %gather3A_108 = tpu.vector_load_idx %arg7[%add3A_107] : memref<4096xf32, #tpu.memory_space<vmem>>[vector<16xi32>], vector<16xf32>,
      %swap3A_109 = arith.index_cast %mul3A_94 : i32 to index
      %swap3A_110 = tpu.vector_load %arg10[%swap3A_109] {strides = array<i32>} : memref<8192xf32, #tpu.memory_space<vmem>>, vector<16xf32>,
      tpu.vector_store %arg10[%swap3A_109], %gather3A_108 {strides = array<i32>} : memref<8192xf32, #tpu.memory_space<vmem>>, vector<16xf32>,
      %gather3A_111 = tpu.vector_load_idx %arg9[%shift_right_arithmetic3A_99] : memref<1024xi32, #tpu.memory_space<vmem>>[vector<16xi32>], vector<16xi32>,
      %mul3A_112 = arith.constant 8 : i32
      %mul3A_113 = vector.broadcast %mul3A_112 : i32 to vector<16xi32>
      %mul3A_114 = arith.muli %gather3A_111, %mul3A_113 : vector<16xi32>
      %add3A_115 = arith.addi %mul3A_114, %and3A_102 : vector<16xi32>
      %gather3A_116 = tpu.vector_load_idx %arg7[%add3A_115] : memref<4096xf32, #tpu.memory_space<vmem>>[vector<16xi32>], vector<16xf32>,
      %swap3A_117 = arith.index_cast %mul3A_94 : i32 to index
      %swap3A_118 = tpu.vector_load %arg11[%swap3A_117] {strides = array<i32>} : memref<8192xf32, #tpu.memory_space<vmem>>, vector<16xf32>,
      tpu.vector_store %arg11[%swap3A_117], %gather3A_116 {strides = array<i32>} : memref<8192xf32, #tpu.memory_space<vmem>>, vector<16xf32>,
      %scan3A_119 = arith.constant 4 : i32
      %scan3A_120 = arith.addi %scan3A_12, %scan3A_119 : i32
      %mul3A_121 = arith.constant 16 : i32
      %mul3A_122 = arith.muli %scan3A_120, %mul3A_121 : i32
      %add3A_123 = vector.broadcast %mul3A_122 : i32 to vector<16xi32>
      %add3A_124 = arith.addi %add3A_123, %iota3A : vector<16xi32>
      %shift_right_arithmetic3A_125 = arith.constant 3 : i32
      %shift_right_arithmetic3A_126 = vector.broadcast %shift_right_arithmetic3A_125 : i32 to vector<16xi32>
      %shift_right_arithmetic3A_127 = arith.shrsi %add3A_124, %shift_right_arithmetic3A_126 : vector<16xi32>
      %and3A_128 = arith.constant 7 : i32
      %and3A_129 = vector.broadcast %and3A_128 : i32 to vector<16xi32>
      %and3A_130 = arith.andi %add3A_124, %and3A_129 : vector<16xi32>
      %gather3A_131 = tpu.vector_load_idx %arg8[%shift_right_arithmetic3A_127] : memref<1024xi32, #tpu.memory_space<vmem>>[vector<16xi32>], vector<16xi32>,
      %mul3A_132 = arith.constant 8 : i32
      %mul3A_133 = vector.broadcast %mul3A_132 : i32 to vector<16xi32>
      %mul3A_134 = arith.muli %gather3A_131, %mul3A_133 : vector<16xi32>
      %add3A_135 = arith.addi %mul3A_134, %and3A_130 : vector<16xi32>
      %gather3A_136 = tpu.vector_load_idx %arg7[%add3A_135] : memref<4096xf32, #tpu.memory_space<vmem>>[vector<16xi32>], vector<16xf32>,
      %swap3A_137 = arith.index_cast %mul3A_122 : i32 to index
      %swap3A_138 = tpu.vector_load %arg10[%swap3A_137] {strides = array<i32>} : memref<8192xf32, #tpu.memory_space<vmem>>, vector<16xf32>,
      tpu.vector_store %arg10[%swap3A_137], %gather3A_136 {strides = array<i32>} : memref<8192xf32, #tpu.memory_space<vmem>>, vector<16xf32>,
      %gather3A_139 = tpu.vector_load_idx %arg9[%shift_right_arithmetic3A_127] : memref<1024xi32, #tpu.memory_space<vmem>>[vector<16xi32>], vector<16xi32>,
      %mul3A_140 = arith.constant 8 : i32
      %mul3A_141 = vector.broadcast %mul3A_140 : i32 to vector<16xi32>
      %mul3A_142 = arith.muli %gather3A_139, %mul3A_141 : vector<16xi32>
      %add3A_143 = arith.addi %mul3A_142, %and3A_130 : vector<16xi32>
      %gather3A_144 = tpu.vector_load_idx %arg7[%add3A_143] : memref<4096xf32, #tpu.memory_space<vmem>>[vector<16xi32>], vector<16xf32>,
      %swap3A_145 = arith.index_cast %mul3A_122 : i32 to index
      %swap3A_146 = tpu.vector_load %arg11[%swap3A_145] {strides = array<i32>} : memref<8192xf32, #tpu.memory_space<vmem>>, vector<16xf32>,
      tpu.vector_store %arg11[%swap3A_145], %gather3A_144 {strides = array<i32>} : memref<8192xf32, #tpu.memory_space<vmem>>, vector<16xf32>,
      %scan3A_147 = arith.constant 5 : i32
      %scan3A_148 = arith.addi %scan3A_12, %scan3A_147 : i32
      %mul3A_149 = arith.constant 16 : i32
      %mul3A_150 = arith.muli %scan3A_148, %mul3A_149 : i32
      %add3A_151 = vector.broadcast %mul3A_150 : i32 to vector<16xi32>
      %add3A_152 = arith.addi %add3A_151, %iota3A : vector<16xi32>
      %shift_right_arithmetic3A_153 = arith.constant 3 : i32
      %shift_right_arithmetic3A_154 = vector.broadcast %shift_right_arithmetic3A_153 : i32 to vector<16xi32>
      %shift_right_arithmetic3A_155 = arith.shrsi %add3A_152, %shift_right_arithmetic3A_154 : vector<16xi32>
      %and3A_156 = arith.constant 7 : i32
      %and3A_157 = vector.broadcast %and3A_156 : i32 to vector<16xi32>
      %and3A_158 = arith.andi %add3A_152, %and3A_157 : vector<16xi32>
      %gather3A_159 = tpu.vector_load_idx %arg8[%shift_right_arithmetic3A_155] : memref<1024xi32, #tpu.memory_space<vmem>>[vector<16xi32>], vector<16xi32>,
      %mul3A_160 = arith.constant 8 : i32
      %mul3A_161 = vector.broadcast %mul3A_160 : i32 to vector<16xi32>
      %mul3A_162 = arith.muli %gather3A_159, %mul3A_161 : vector<16xi32>
      %add3A_163 = arith.addi %mul3A_162, %and3A_158 : vector<16xi32>
      %gather3A_164 = tpu.vector_load_idx %arg7[%add3A_163] : memref<4096xf32, #tpu.memory_space<vmem>>[vector<16xi32>], vector<16xf32>,
      %swap3A_165 = arith.index_cast %mul3A_150 : i32 to index
      %swap3A_166 = tpu.vector_load %arg10[%swap3A_165] {strides = array<i32>} : memref<8192xf32, #tpu.memory_space<vmem>>, vector<16xf32>,
      tpu.vector_store %arg10[%swap3A_165], %gather3A_164 {strides = array<i32>} : memref<8192xf32, #tpu.memory_space<vmem>>, vector<16xf32>,
      %gather3A_167 = tpu.vector_load_idx %arg9[%shift_right_arithmetic3A_155] : memref<1024xi32, #tpu.memory_space<vmem>>[vector<16xi32>], vector<16xi32>,
      %mul3A_168 = arith.constant 8 : i32
      %mul3A_169 = vector.broadcast %mul3A_168 : i32 to vector<16xi32>
      %mul3A_170 = arith.muli %gather3A_167, %mul3A_169 : vector<16xi32>
      %add3A_171 = arith.addi %mul3A_170, %and3A_158 : vector<16xi32>
      %gather3A_172 = tpu.vector_load_idx %arg7[%add3A_171] : memref<4096xf32, #tpu.memory_space<vmem>>[vector<16xi32>], vector<16xf32>,
      %swap3A_173 = arith.index_cast %mul3A_150 : i32 to index
      %swap3A_174 = tpu.vector_load %arg11[%swap3A_173] {strides = array<i32>} : memref<8192xf32, #tpu.memory_space<vmem>>, vector<16xf32>,
      tpu.vector_store %arg11[%swap3A_173], %gather3A_172 {strides = array<i32>} : memref<8192xf32, #tpu.memory_space<vmem>>, vector<16xf32>,
      %scan3A_175 = arith.constant 6 : i32
      %scan3A_176 = arith.addi %scan3A_12, %scan3A_175 : i32
      %mul3A_177 = arith.constant 16 : i32
      %mul3A_178 = arith.muli %scan3A_176, %mul3A_177 : i32
      %add3A_179 = vector.broadcast %mul3A_178 : i32 to vector<16xi32>
      %add3A_180 = arith.addi %add3A_179, %iota3A : vector<16xi32>
      %shift_right_arithmetic3A_181 = arith.constant 3 : i32
      %shift_right_arithmetic3A_182 = vector.broadcast %shift_right_arithmetic3A_181 : i32 to vector<16xi32>
      %shift_right_arithmetic3A_183 = arith.shrsi %add3A_180, %shift_right_arithmetic3A_182 : vector<16xi32>
      %and3A_184 = arith.constant 7 : i32
      %and3A_185 = vector.broadcast %and3A_184 : i32 to vector<16xi32>
      %and3A_186 = arith.andi %add3A_180, %and3A_185 : vector<16xi32>
      %gather3A_187 = tpu.vector_load_idx %arg8[%shift_right_arithmetic3A_183] : memref<1024xi32, #tpu.memory_space<vmem>>[vector<16xi32>], vector<16xi32>,
      %mul3A_188 = arith.constant 8 : i32
      %mul3A_189 = vector.broadcast %mul3A_188 : i32 to vector<16xi32>
      %mul3A_190 = arith.muli %gather3A_187, %mul3A_189 : vector<16xi32>
      %add3A_191 = arith.addi %mul3A_190, %and3A_186 : vector<16xi32>
      %gather3A_192 = tpu.vector_load_idx %arg7[%add3A_191] : memref<4096xf32, #tpu.memory_space<vmem>>[vector<16xi32>], vector<16xf32>,
      %swap3A_193 = arith.index_cast %mul3A_178 : i32 to index
      %swap3A_194 = tpu.vector_load %arg10[%swap3A_193] {strides = array<i32>} : memref<8192xf32, #tpu.memory_space<vmem>>, vector<16xf32>,
      tpu.vector_store %arg10[%swap3A_193], %gather3A_192 {strides = array<i32>} : memref<8192xf32, #tpu.memory_space<vmem>>, vector<16xf32>,
      %gather3A_195 = tpu.vector_load_idx %arg9[%shift_right_arithmetic3A_183] : memref<1024xi32, #tpu.memory_space<vmem>>[vector<16xi32>], vector<16xi32>,
      %mul3A_196 = arith.constant 8 : i32
      %mul3A_197 = vector.broadcast %mul3A_196 : i32 to vector<16xi32>
      %mul3A_198 = arith.muli %gather3A_195, %mul3A_197 : vector<16xi32>
      %add3A_199 = arith.addi %mul3A_198, %and3A_186 : vector<16xi32>
      %gather3A_200 = tpu.vector_load_idx %arg7[%add3A_199] : memref<4096xf32, #tpu.memory_space<vmem>>[vector<16xi32>], vector<16xf32>,
      %swap3A_201 = arith.index_cast %mul3A_178 : i32 to index
      %swap3A_202 = tpu.vector_load %arg11[%swap3A_201] {strides = array<i32>} : memref<8192xf32, #tpu.memory_space<vmem>>, vector<16xf32>,
      tpu.vector_store %arg11[%swap3A_201], %gather3A_200 {strides = array<i32>} : memref<8192xf32, #tpu.memory_space<vmem>>, vector<16xf32>,
      %scan3A_203 = arith.constant 7 : i32
      %scan3A_204 = arith.addi %scan3A_12, %scan3A_203 : i32
      %mul3A_205 = arith.constant 16 : i32
      %mul3A_206 = arith.muli %scan3A_204, %mul3A_205 : i32
      %add3A_207 = vector.broadcast %mul3A_206 : i32 to vector<16xi32>
      %add3A_208 = arith.addi %add3A_207, %iota3A : vector<16xi32>
      %shift_right_arithmetic3A_209 = arith.constant 3 : i32
      %shift_right_arithmetic3A_210 = vector.broadcast %shift_right_arithmetic3A_209 : i32 to vector<16xi32>
      %shift_right_arithmetic3A_211 = arith.shrsi %add3A_208, %shift_right_arithmetic3A_210 : vector<16xi32>
      %and3A_212 = arith.constant 7 : i32
      %and3A_213 = vector.broadcast %and3A_212 : i32 to vector<16xi32>
      %and3A_214 = arith.andi %add3A_208, %and3A_213 : vector<16xi32>
      %gather3A_215 = tpu.vector_load_idx %arg8[%shift_right_arithmetic3A_211] : memref<1024xi32, #tpu.memory_space<vmem>>[vector<16xi32>], vector<16xi32>,
      %mul3A_216 = arith.constant 8 : i32
      %mul3A_217 = vector.broadcast %mul3A_216 : i32 to vector<16xi32>
      %mul3A_218 = arith.muli %gather3A_215, %mul3A_217 : vector<16xi32>
      %add3A_219 = arith.addi %mul3A_218, %and3A_214 : vector<16xi32>
      %gather3A_220 = tpu.vector_load_idx %arg7[%add3A_219] : memref<4096xf32, #tpu.memory_space<vmem>>[vector<16xi32>], vector<16xf32>,
      %swap3A_221 = arith.index_cast %mul3A_206 : i32 to index
      %swap3A_222 = tpu.vector_load %arg10[%swap3A_221] {strides = array<i32>} : memref<8192xf32, #tpu.memory_space<vmem>>, vector<16xf32>,
      tpu.vector_store %arg10[%swap3A_221], %gather3A_220 {strides = array<i32>} : memref<8192xf32, #tpu.memory_space<vmem>>, vector<16xf32>,
      %gather3A_223 = tpu.vector_load_idx %arg9[%shift_right_arithmetic3A_211] : memref<1024xi32, #tpu.memory_space<vmem>>[vector<16xi32>], vector<16xi32>,
      %mul3A_224 = arith.constant 8 : i32
      %mul3A_225 = vector.broadcast %mul3A_224 : i32 to vector<16xi32>
      %mul3A_226 = arith.muli %gather3A_223, %mul3A_225 : vector<16xi32>
      %add3A_227 = arith.addi %mul3A_226, %and3A_214 : vector<16xi32>
      %gather3A_228 = tpu.vector_load_idx %arg7[%add3A_227] : memref<4096xf32, #tpu.memory_space<vmem>>[vector<16xi32>], vector<16xf32>,
      %swap3A_229 = arith.index_cast %mul3A_206 : i32 to index
      %swap3A_230 = tpu.vector_load %arg11[%swap3A_229] {strides = array<i32>} : memref<8192xf32, #tpu.memory_space<vmem>>, vector<16xf32>,
      tpu.vector_store %arg11[%swap3A_229], %gather3A_228 {strides = array<i32>} : memref<8192xf32, #tpu.memory_space<vmem>>, vector<16xf32>,
    }
    %scan3A_7 = arith.constant 512 : i32
    %mul3A_8 = arith.constant 8 : i32
    %mul3A_9 = arith.muli %mul3A_2, %mul3A_8 : i32
    "tpu.region"() ({
      %run_scoped3A = tpu.sem_alloc : memref<!tpu.dma_semaphore, #tpu.memory_space<semaphore_mem>>
      %dma_start3A = tpu.memref_slice %arg5[%mul3A_9] : memref<262144xf32, #tpu.memory_space<hbm>> -> memref<8192xf32, #tpu.memory_space<hbm>>
      %dma_start3A_12 = tpu.memref_slice %arg5[%mul3A_9] : memref<262144xf32, #tpu.memory_space<hbm>> -> memref<8192xf32, #tpu.memory_space<hbm>>
      tpu.enqueue_dma source(%arg10 : memref<8192xf32, #tpu.memory_space<vmem>>) target(%dma_start3A_12 : memref<8192xf32, #tpu.memory_space<hbm>>) target_semaphore(%run_scoped3A : memref<!tpu.dma_semaphore, #tpu.memory_space<semaphore_mem>>)
      %dma_wait3A = tpu.memref_slice %arg5[%mul3A_9] : memref<262144xf32, #tpu.memory_space<hbm>> -> memref<8192xf32, #tpu.memory_space<hbm>>
      %dma_wait3A_13 = tpu.memref_slice %arg5[%mul3A_9] : memref<262144xf32, #tpu.memory_space<hbm>> -> memref<8192xf32, #tpu.memory_space<hbm>>
      tpu.wait_dma2 semaphore(%run_scoped3A : memref<!tpu.dma_semaphore, #tpu.memory_space<semaphore_mem>>) src(%arg10 : memref<8192xf32, #tpu.memory_space<vmem>>) dst(%dma_wait3A_13 : memref<8192xf32, #tpu.memory_space<hbm>>)
      tpu.yield
    }) : () -> ()
    %mul3A_10 = arith.constant 8 : i32
    %mul3A_11 = arith.muli %mul3A_2, %mul3A_10 : i32
    "tpu.region"() ({
      %run_scoped3A = tpu.sem_alloc : memref<!tpu.dma_semaphore, #tpu.memory_space<semaphore_mem>>
      %dma_start3A = tpu.memref_slice %arg6[%mul3A_11] : memref<262144xf32, #tpu.memory_space<hbm>> -> memref<8192xf32, #tpu.memory_space<hbm>>
      %dma_start3A_12 = tpu.memref_slice %arg6[%mul3A_11] : memref<262144xf32, #tpu.memory_space<hbm>> -> memref<8192xf32, #tpu.memory_space<hbm>>
      tpu.enqueue_dma source(%arg11 : memref<8192xf32, #tpu.memory_space<vmem>>) target(%dma_start3A_12 : memref<8192xf32, #tpu.memory_space<hbm>>) target_semaphore(%run_scoped3A : memref<!tpu.dma_semaphore, #tpu.memory_space<semaphore_mem>>)
      %dma_wait3A = tpu.memref_slice %arg6[%mul3A_11] : memref<262144xf32, #tpu.memory_space<hbm>> -> memref<8192xf32, #tpu.memory_space<hbm>>
      %dma_wait3A_13 = tpu.memref_slice %arg6[%mul3A_11] : memref<262144xf32, #tpu.memory_space<hbm>> -> memref<8192xf32, #tpu.memory_space<hbm>>
      tpu.wait_dma2 semaphore(%run_scoped3A : memref<!tpu.dma_semaphore, #tpu.memory_space<semaphore_mem>>) src(%arg11 : memref<8192xf32, #tpu.memory_space<vmem>>) dst(%dma_wait3A_13 : memref<8192xf32, #tpu.memory_space<hbm>>)
      tpu.yield
    }) : () -> ()
    return
  }
}

module attributes {stable_mosaic.version = 14 : i64} {
  func.func @_body_nogather(%arg0: i32, %arg1: i32, %arg2: memref<1x32x4096xf32, #tpu.memory_space<vmem>>, %arg3: memref<1024x192xbf16, #tpu.memory_space<vmem>>, %arg4: memref<1x2x4096xi32, #tpu.memory_space<vmem>>, %arg5: memref<1x1xf32, #tpu.memory_space<vmem>>) attributes {dimension_semantics = [#tpu.dimension_semantics<arbitrary>, #tpu.dimension_semantics<arbitrary>], iteration_bounds = array<i64: 8, 1>, scalar_prefetch = 0 : i64, scratch_operands = 0 : i64, tpu.core_type = #tpu.core_type<tc>, window_params = [{transform_indices = @transform_0, window_bounds = array<i64: 1, 32, 4096>}, {pipeline_mode = #tpu.pipeline_mode<synchronous>, transform_indices = @transform_1, window_bounds = array<i64: 1024, 192>}, {transform_indices = @transform_2, window_bounds = array<i64: 1, 2, 4096>}, {pipeline_mode = #tpu.pipeline_mode<synchronous>, transform_indices = @transform_3, window_bounds = array<i64: 1, 1>}]} {
    %get3A = arith.constant 0 : index
    %get3A_0 = arith.constant 0 : index
    %get3A_1 = arith.constant 0 : index
    %get3A_2 = vector.load %arg2[%get3A, %get3A_0, %get3A_1] : memref<1x32x4096xf32, #tpu.memory_space<vmem>>, vector<1x32x4096xf32>
    %get3A_3 = vector.shape_cast %get3A_2 : vector<1x32x4096xf32> to vector<32x4096xf32>
    %slice3A = vector.extract_strided_slice %get3A_3 {offsets = [0, 0], sizes = [16, 4096], strides = [1, 1]} : vector<32x4096xf32> to vector<16x4096xf32>
    %slice3A_4 = vector.extract_strided_slice %get3A_3 {offsets = [16, 0], sizes = [16, 4096], strides = [1, 1]} : vector<32x4096xf32> to vector<16x4096xf32>
    %jit3A = arith.constant -3.000000e+01 : f32
    %jit3A_5 = arith.constant 2.000000e+01 : f32
    %max3A = vector.broadcast %jit3A : f32 to vector<16x4096xf32>
    %max3A_6 = arith.maximumf %max3A, %slice3A_4 : vector<16x4096xf32>
    %min3A = vector.broadcast %jit3A_5 : f32 to vector<16x4096xf32>
    %min3A_7 = arith.minimumf %min3A, %max3A_6 : vector<16x4096xf32>
    %exp3A = math.exp %min3A_7 : vector<16x4096xf32>
    %div3A = arith.constant 1.000000e+00 : f32
    %div3A_8 = vector.broadcast %div3A : f32 to vector<16x4096xf32>
    %div3A_9 = arith.divf %div3A_8, %exp3A : vector<16x4096xf32>
    %mul3A = arith.constant 5.000000e-01 : f32
    %mul3A_10 = vector.broadcast %mul3A : f32 to vector<16x4096xf32>
    %mul3A_11 = arith.mulf %mul3A_10, %div3A_9 : vector<16x4096xf32>
    %sub3A = arith.constant 5.000000e-01 : f32
    %sub3A_12 = vector.broadcast %sub3A : f32 to vector<16x4096xf32>
    %sub3A_13 = arith.subf %sub3A_12, %mul3A_11 : vector<16x4096xf32>
    %mul3A_14 = arith.mulf %slice3A, %div3A_9 : vector<16x4096xf32>
    %concatenate3A = tpu.concatenate %sub3A_13, %mul3A_14 in 0 : vector<16x4096xf32>, vector<16x4096xf32> -> vector<32x4096xf32>
    %convert_element_type3A = arith.truncf %concatenate3A : vector<32x4096xf32> to vector<32x4096xbf16>
    %convert_element_type3A_15 = arith.extf %convert_element_type3A : vector<32x4096xbf16> to vector<32x4096xf32>
    %sub3A_16 = arith.subf %concatenate3A, %convert_element_type3A_15 : vector<32x4096xf32>
    %convert_element_type3A_17 = arith.truncf %sub3A_16 : vector<32x4096xf32> to vector<32x4096xbf16>
    %convert_element_type3A_18 = arith.extf %convert_element_type3A_17 : vector<32x4096xbf16> to vector<32x4096xf32>
    %sub3A_19 = arith.subf %sub3A_16, %convert_element_type3A_18 : vector<32x4096xf32>
    %convert_element_type3A_20 = arith.truncf %sub3A_19 : vector<32x4096xf32> to vector<32x4096xbf16>
    %concatenate3A_21 = tpu.concatenate %convert_element_type3A, %convert_element_type3A, %convert_element_type3A_17, %convert_element_type3A_17, %convert_element_type3A, %convert_element_type3A_20 in 0 : vector<32x4096xbf16>, vector<32x4096xbf16>, vector<32x4096xbf16>, vector<32x4096xbf16>, vector<32x4096xbf16>, vector<32x4096xbf16> -> vector<192x4096xbf16>
    %get3A_22 = arith.constant 0 : index
    %get3A_23 = arith.constant 0 : index
    %get3A_24 = vector.load %arg3[%get3A_22, %get3A_23] : memref<1024x192xbf16, #tpu.memory_space<vmem>>, vector<1024x192xbf16>
    %dot_general3A = arith.constant dense<0.000000e+00> : vector<1024x4096xf32>
    %dot_general3A_25 = tpu.matmul %get3A_24, %concatenate3A_21, %dot_general3A {dimension_numbers = #tpu.dot_dimension_numbers<[1], [0], [0], [1], [0, 0, 1, 1], [], []>, transpose_lhs_hint = false} : vector<1024x192xbf16>, vector<192x4096xbf16>, vector<1024x4096xf32> -> vector<1024x4096xf32>
    %iota3A = tpu.iota {dimensions = array<i32: 0>} : vector<512x4096xi32>
    %slice3A_26 = vector.extract_strided_slice %dot_general3A_25 {offsets = [0, 0], sizes = [512, 4096], strides = [1, 1]} : vector<1024x4096xf32> to vector<512x4096xf32>
    %slice3A_27 = vector.extract_strided_slice %dot_general3A_25 {offsets = [512, 0], sizes = [512, 4096], strides = [1, 1]} : vector<1024x4096xf32> to vector<512x4096xf32>
    %reduce_max3A = arith.constant dense<0xFF800000> : vector<4096xf32>
    %reduce_max3A_28 = vector.multi_reduction <maximumf>, %slice3A_26, %reduce_max3A [0] : vector<512x4096xf32> to vector<4096xf32>
    %broadcast_in_dim3A = vector.shape_cast %reduce_max3A_28 : vector<4096xf32> to vector<1x4096xf32>
    %reduce_max3A_29 = arith.constant dense<0xFF800000> : vector<4096xf32>
    %reduce_max3A_30 = vector.multi_reduction <maximumf>, %slice3A_27, %reduce_max3A_29 [0] : vector<512x4096xf32> to vector<4096xf32>
    %broadcast_in_dim3A_31 = vector.shape_cast %reduce_max3A_30 : vector<4096xf32> to vector<1x4096xf32>
    %eq3A = vector.broadcast %broadcast_in_dim3A : vector<1x4096xf32> to vector<512x4096xf32>
    %eq3A_32 = arith.cmpf oeq, %slice3A_26, %eq3A : vector<512x4096xf32>
    %jit3A_33 = arith.constant 512 : i32
    %broadcast_in_dim3A_34 = vector.broadcast %jit3A_33 : i32 to vector<512x4096xi32>
    %select_n3A = arith.select %eq3A_32, %iota3A, %broadcast_in_dim3A_34 : vector<512x4096xi1>, vector<512x4096xi32>
    %reduce_min3A = arith.constant dense<2147483647> : vector<4096xi32>
    %reduce_min3A_35 = vector.multi_reduction <minsi>, %select_n3A, %reduce_min3A [0] : vector<512x4096xi32> to vector<4096xi32>
    %swap3A = arith.constant 0 : index
    %swap3A_36 = arith.constant 0 : index
    %swap3A_37 = arith.constant 0 : index
    %swap3A_38 = vector.load %arg4[%swap3A, %swap3A_36, %swap3A_37] : memref<1x2x4096xi32, #tpu.memory_space<vmem>>, vector<1x1x4096xi32>
    %swap3A_39 = vector.shape_cast %swap3A_38 : vector<1x1x4096xi32> to vector<4096xi32>
    %swap3A_40 = vector.shape_cast %reduce_min3A_35 : vector<4096xi32> to vector<1x1x4096xi32>
    tpu.vector_store %arg4[%swap3A, %swap3A_36, %swap3A_37], %swap3A_40 {strides = array<i32>} : memref<1x2x4096xi32, #tpu.memory_space<vmem>>, vector<1x1x4096xi32>,
    %eq3A_41 = vector.broadcast %broadcast_in_dim3A_31 : vector<1x4096xf32> to vector<512x4096xf32>
    %eq3A_42 = arith.cmpf oeq, %slice3A_27, %eq3A_41 : vector<512x4096xf32>
    %jit3A_43 = arith.constant 512 : i32
    %broadcast_in_dim3A_44 = vector.broadcast %jit3A_43 : i32 to vector<512x4096xi32>
    %select_n3A_45 = arith.select %eq3A_42, %iota3A, %broadcast_in_dim3A_44 : vector<512x4096xi1>, vector<512x4096xi32>
    %reduce_min3A_46 = arith.constant dense<2147483647> : vector<4096xi32>
    %reduce_min3A_47 = vector.multi_reduction <minsi>, %select_n3A_45, %reduce_min3A_46 [0] : vector<512x4096xi32> to vector<4096xi32>
    %swap3A_48 = arith.constant 0 : index
    %swap3A_49 = arith.constant 1 : index
    %swap3A_50 = arith.constant 0 : index
    %swap3A_51 = vector.load %arg4[%swap3A_48, %swap3A_49, %swap3A_50] : memref<1x2x4096xi32, #tpu.memory_space<vmem>>, vector<1x1x4096xi32>
    %swap3A_52 = vector.shape_cast %swap3A_51 : vector<1x1x4096xi32> to vector<4096xi32>
    %swap3A_53 = vector.shape_cast %reduce_min3A_47 : vector<4096xi32> to vector<1x1x4096xi32>
    tpu.vector_store %arg4[%swap3A_48, %swap3A_49, %swap3A_50], %swap3A_53 {strides = array<i32>} : memref<1x2x4096xi32, #tpu.memory_space<vmem>>, vector<1x1x4096xi32>,
    %mul3A_54 = arith.mulf %slice3A, %slice3A : vector<16x4096xf32>
    %add3A = arith.addf %mul3A_54, %exp3A : vector<16x4096xf32>
    %sub3A_55 = arith.constant 1.000000e+00 : f32
    %sub3A_56 = vector.broadcast %sub3A_55 : f32 to vector<16x4096xf32>
    %sub3A_57 = arith.subf %add3A, %sub3A_56 : vector<16x4096xf32>
    %sub3A_58 = arith.subf %sub3A_57, %min3A_7 : vector<16x4096xf32>
    %reduce_sum3A = vector.shape_cast %sub3A_58 : vector<16x4096xf32> to vector<1x16x4096xf32>
    %reduce_sum3A_59 = arith.constant dense<0.000000e+00> : vector<1xf32>
    %reduce_sum3A_60 = vector.multi_reduction <add>, %reduce_sum3A, %reduce_sum3A_59 [1, 2] : vector<1x16x4096xf32> to vector<1xf32>
    %reduce_sum3A_61 = vector.shape_cast %reduce_sum3A_60 : vector<1xf32> to vector<1x1x1xf32>
    %reduce_sum3A_62 = vector.extract %reduce_sum3A_61[0, 0, 0] : f32 from vector<1x1x1xf32>
    %eq3A_63 = arith.constant 0 : i32
    %eq3A_64 = arith.cmpi eq, %arg0, %eq3A_63 : i32
    %eq3A_65 = arith.constant 0 : i32
    %eq3A_66 = arith.cmpi eq, %arg1, %eq3A_65 : i32
    %and3A = arith.andi %eq3A_64, %eq3A_66 : i1
    %convert_element_type3A_67 = arith.extui %and3A : i1 to i32
    %cond3A = arith.constant 0 : i32
    %cond3A_68 = arith.cmpi ne, %convert_element_type3A_67, %cond3A : i32
    scf.if %cond3A_68 {
      %broadcast_in_dim3A_77 = arith.constant 0.000000e+00 : f32
      %broadcast_in_dim3A_78 = vector.broadcast %broadcast_in_dim3A_77 : f32 to vector<1x1xf32>
      %swap3A_79 = arith.constant 0 : index
      %swap3A_80 = arith.constant 0 : index
      %swap3A_81 = vector.load %arg5[%swap3A_79, %swap3A_80] : memref<1x1xf32, #tpu.memory_space<vmem>>, vector<1x1xf32>
      tpu.vector_store %arg5[%swap3A_79, %swap3A_80], %broadcast_in_dim3A_78 {strides = array<i32>} : memref<1x1xf32, #tpu.memory_space<vmem>>, vector<1x1xf32>,
    } else {
    }
    %get3A_69 = arith.constant 0 : index
    %get3A_70 = arith.constant 0 : index
    %get3A_71 = vector.load %arg5[%get3A_69, %get3A_70] : memref<1x1xf32, #tpu.memory_space<vmem>>, vector<1x1xf32>
    %add3A_72 = vector.broadcast %reduce_sum3A_62 : f32 to vector<1x1xf32>
    %add3A_73 = arith.addf %get3A_71, %add3A_72 : vector<1x1xf32>
    %swap3A_74 = arith.constant 0 : index
    %swap3A_75 = arith.constant 0 : index
    %swap3A_76 = vector.load %arg5[%swap3A_74, %swap3A_75] : memref<1x1xf32, #tpu.memory_space<vmem>>, vector<1x1xf32>
    tpu.vector_store %arg5[%swap3A_74, %swap3A_75], %add3A_73 {strides = array<i32>} : memref<1x1xf32, #tpu.memory_space<vmem>>, vector<1x1xf32>,
    return
  }
  func.func @transform_0(%arg0: i32, %arg1: i32) -> (i32, i32, i32) {
    %c0_i32 = arith.constant 0 : i32
    %c0_i32_0 = arith.constant 0 : i32
    return %arg0, %c0_i32, %arg1 : i32, i32, i32
  }
  func.func @transform_1(%arg0: i32, %arg1: i32) -> (i32, i32) {
    %c0_i32 = arith.constant 0 : i32
    %c0_i32_0 = arith.constant 0 : i32
    %c0_i32_1 = arith.constant 0 : i32
    return %c0_i32, %c0_i32_0 : i32, i32
  }
  func.func @transform_2(%arg0: i32, %arg1: i32) -> (i32, i32, i32) {
    %c0_i32 = arith.constant 0 : i32
    %c0_i32_0 = arith.constant 0 : i32
    return %arg0, %c0_i32, %arg1 : i32, i32, i32
  }
  func.func @transform_3(%arg0: i32, %arg1: i32) -> (i32, i32) {
    %c0_i32 = arith.constant 0 : i32
    %c0_i32_0 = arith.constant 0 : i32
    %c0_i32_1 = arith.constant 0 : i32
    return %c0_i32, %c0_i32_0 : i32, i32
  }
}

</mosaic_0001>

<sc_bundles>
// kernel: _kernel_sc_variant.4.cloned.1.call-start
scs
__scs_entry_jumppad:
0x0: {  	(pc) =	sbr.rel $0x88, $3  }
0x1: {  	(tag) =	ssettag $0x0;
	lr =	simm.s32 $0x1  }
0x2: {  	[smem:$0x3F9F] =	sst lr;
	_ =	strace $0xD0000000  }
0x3: {  	_ = 	snop  }
0x4: {  	_ = 	snop  }
0x5: {  	_ = 	snop  }
0x6: {  	_ = 	snop  }
0x7: {  	_ = 	snop  }
__scs_overlays_trampoline_lowered:
0x8: {  	[smem:$0x3FAE] =	sst s0  }
0x9: {  	[smem:$0x3FAF] =	sst s1  }
0xa: {  	[smem:$0x3FB0] =	sst s2  }
0xb: {  	[smem:$0x3FB1] =	sst s3  }
0xc: {  	[smem:$0x3FB2] =	sst s4  }
0xd: {  	[smem:$0x3FB3] =	sst s5  }
0xe: {  	[smem:$0x3FB4] =	sst s6  }
0xf: {  	[smem:$0x3FB5] =	sst s7  }
0x10: {  	[smem:$0x3FB6] =	sst s8  }
0x11: {  	[smem:$0x3FB7] =	sst s9;
	s0 =	simm.s32 @!p0 $0x0  }
0x12: {  	s1 =	sld [smem:$0x3F9D];
	s0 =	simm.s32 @p0 $0x1  }
0x13: {  	[smem:$0x3FB8] =	sst s0;
	s0 =	simm.s32 @!p1 $0x0  }
0x14: {  	s2 =	sld [smem:$0x3F9C];
	s0 =	simm.s32 @p1 $0x1  }
0x15: {  	[smem:$0x3FB9] =	sst s0;
	s0 =	simm.s32 @!p2 $0x0  }
0x16: {  	s3 =	sld [smem:$0x3FDB];
	s0 =	simm.s32 @p2 $0x1  }
0x17: {  	s4 =	simm.s32 $0x1BF5;
	[smem:$0x3FBB] =	sst s0  }
0x18: {  	s0 =	sld [smem:$0x3F9E];
	_ =	swait.ge [sflag:s4], $0x0  }
0x19: {  	s7 =	sld [smem:$0x3F9F]  }
0x1a: {  	s8 =	sadd.s32 $0xFFFFE003, lr  }
0x1b: {  	s9 =	sadd.s32 $0xFFFFFEF7, lr;
	s5 =	simm.s32 $0xFFFFFFFF;
	p2 =	slt.u32 s8, $0xFFFFF086  }
0x1c: {  	p1 =	slt.u32 s9, $0xF7A;
	s5 =	simm.s32 @!p2 $0x0  }
0x1d: {  	s5 =	simm.s32 @p1 $0x1;
	p0 =	seq.s32 s7, s2  }
0x1e: {  	s7 =	smul.u32 @!p0 $0xF7A, s2;
	p2 =	seq.s32 @!p0 s5, $0x0  }
0x1f: {  	s9 =	smul.u32 $0xF7A, s1;
	s8 =	simm.s32 @!p0 $0x1BF5;
	p2 =	por !p2, p0  }
0x20: {  	[sflag:s8] =	ssyncset.s32 @!p0 $0xFFFFF086;
	s6 =	sadd.s32 @!p0 s3, s7;
	s7 =	simm.s32 @!p0 $0x108  }
0x21: {  	s3 =	sadd.s32 s3, s9;
	s6 =	sadd.s32 @!p0 $0x88, s6;
	s7 =	simm.s32 @p2 $0x1082  }
0x22: {  	[simem:s7], [sflag:s8] =	dma.local @!p0 [hbm:s6], $0xF7A  }
0x23: {  	s9 =	sor.u32 $0xD0000000, s2;
	s6 =	simm.s32 $0x108;
	_ =	swait.ge @!p0 [sflag:s8], $0x0  }
0x24: {  	s3 =	sadd.s32 $0x88, s3;
	s6 =	simm.s32 @!p1 $0x1082;
	[sflag:s4] =	ssyncset.s32 $0xFFFFF086  }
0x25: {  	[simem:s6], [sflag:s4] =	dma.local [hbm:s3], $0xF7A  }
0x26: {  	[smem:$0x3F9F] =	sst s1;
	(tag) =	ssettag s2;
	_ =	strace s9  }
0x27: {  	s1 =	sld [smem:$0x3FAF]  }
0x28: {  	s2 =	sld [smem:$0x3FB0]  }
0x29: {  	s4 =	sld [smem:$0x3FB2]  }
0x2a: {  	p0 =	seq.s32 s5, $0x0;
	s5 =	sld [smem:$0x3FB3]  }
0x2b: {  	s6 =	sld [smem:$0x3FB4]  }
0x2c: {  	s7 =	sld [smem:$0x3FB5]  }
0x2d: {  	s3 =	simm.s32 $0x108;
	s8 =	sld [smem:$0x3FB6]  }
0x2e: {  	s3 =	simm.s32 @!p0 $0x1082;
	s9 =	sld [smem:$0x3FB7]  }
0x2f: {  	lr =	sadd.s32 s0, s3;
	s0 =	sld [smem:$0x3FAE]  }
0x30: {  	s3 =	sld [smem:$0x3FB1]  }
0x31: {  	[smem:$0x3FBA] =	sst s10  }
0x32: {  	s10 =	sld [smem:$0x3FB8];
	_ =	sdelay $0x3  }
0x33: {  	p0 =	seq.s32 s10, $0x1;
	s10 =	sld [smem:$0x3FBA];
	_ =	sdelay $0x3  }
0x34: {  	[smem:$0x3FBA] =	sst s10  }
0x35: {  	s10 =	sld [smem:$0x3FB9];
	_ =	sdelay $0x3  }
0x36: {  	p1 =	seq.s32 s10, $0x1;
	s10 =	sld [smem:$0x3FBA];
	_ =	sdelay $0x3  }
0x37: {  	[smem:$0x3FBA] =	sst s10  }
0x38: {  	s10 =	sld [smem:$0x3FBB]  }
0x39: {  	_ = 	snop;
	(pc) =	sbr.ind lr, $3  }
0x3a: {  	_ = 	snop  }
0x3b: {  	_ = 	snop  }
0x3c: {  	p2 =	seq.s32 s10, $0x1;
	s10 =	sld [smem:$0x3FBA]  }
0x3d: {  	_ =	shalt  }
0x3e: {  	_ =	shalt  }
0x3f: {  	_ =	shalt  }
0x40: {  	_ =	shalt  }
0x41: {  	_ =	shalt  }
0x42: {  	_ =	shalt  }
0x43: {  	_ =	shalt  }
0x44: {  	_ =	shalt  }
0x45: {  	_ =	shalt  }
0x46: {  	_ =	shalt  }
0x47: {  	_ =	shalt  }
0x48: {  	_ =	shalt  }
0x49: {  	_ =	shalt  }
0x4a: {  	_ =	shalt  }
0x4b: {  	_ =	shalt  }
0x4c: {  	_ =	shalt  }
0x4d: {  	_ =	shalt  }
0x4e: {  	_ =	shalt  }
0x4f: {  	_ =	shalt  }
0x50: {  	_ =	shalt  }
0x51: {  	_ =	shalt  }
0x52: {  	_ =	shalt  }
0x53: {  	_ =	shalt  }
0x54: {  	_ =	shalt  }
0x55: {  	_ =	shalt  }
0x56: {  	_ =	shalt  }
0x57: {  	_ =	shalt  }
0x58: {  	_ =	shalt  }
0x59: {  	_ =	shalt  }
0x5a: {  	_ =	shalt  }
0x5b: {  	_ =	shalt  }
0x5c: {  	_ =	shalt  }
0x5d: {  	_ =	shalt  }
0x5e: {  	_ =	shalt  }
0x5f: {  	_ =	shalt  }
0x60: {  	_ =	shalt  }
0x61: {  	_ =	shalt  }
0x62: {  	_ =	shalt  }
0x63: {  	_ =	shalt  }
0x64: {  	_ =	shalt  }
0x65: {  	_ =	shalt  }
0x66: {  	_ =	shalt  }
0x67: {  	_ =	shalt  }
0x68: {  	_ =	shalt  }
0x69: {  	_ =	shalt  }
0x6a: {  	_ =	shalt  }
0x6b: {  	_ =	shalt  }
0x6c: {  	_ =	shalt  }
0x6d: {  	_ =	shalt  }
0x6e: {  	_ =	shalt  }
0x6f: {  	_ =	shalt  }
0x70: {  	_ =	shalt  }
0x71: {  	_ =	shalt  }
0x72: {  	_ =	shalt  }
0x73: {  	_ =	shalt  }
0x74: {  	_ =	shalt  }
0x75: {  	_ =	shalt  }
0x76: {  	_ =	shalt  }
0x77: {  	_ =	shalt  }
0x78: {  	_ =	shalt  }
0x79: {  	_ =	shalt  }
0x7a: {  	_ =	shalt  }
0x7b: {  	_ =	shalt  }
0x7c: {  	_ =	shalt  }
0x7d: {  	_ =	shalt  }
0x7e: {  	_ =	shalt  }
0x7f: {  	_ =	shalt  }
0x80: {  	_ =	shalt  }
0x81: {  	_ =	shalt  }
0x82: {  	_ =	shalt  }
0x83: {  	_ =	shalt  }
0x84: {  	_ =	shalt  }
0x85: {  	_ =	shalt  }
0x86: {  	_ =	shalt  }
0x87: {  	_ =	shalt  }
.Lfunc_end0:
.L_simem_size_0:
called_computation_lowered:
.L_overlay_start_0:
0x88: {  	s2 =	sld [smem:$0x3FD9]  }
0x89: {  	s3 =	sld [smem:$0x3FFE];
	_ =	sdelay $0x1  }
0x8a: {  	s1 =	srdreg.scid  }
0x8b: {  	s0 =	sand.u32 $0x1, s1  }
0x8c: {  	s14 =	sshll.u32 s0, $0xA;
	s2 =	sadd.s32 s3, s2  }
0x8d: {  	s2 =	sadd.s32 s2, s14  }
0x8e: {  	[smem:$0x3FC6] =	sst s2  }
0x8f: {  	_ = 	snop  }
0x90: {  	s2 =	sld [smem:$0x3FD0];
	_ =	sdelay $0x2  }
0x91: {  	s15 =	simm.s32 $0xA;
	s4 =	simm.s32 $0x10  }
0x92: {  	[smem:s4], [sflag:s15] =	dma.local [hbm:s2], $0x1  }
0x93: {  	_ =	swait.eq [sflag:s15], $0x1  }
0x94: {  	[sflag:s15] =	ssyncset.done $0x0  }
0x95: {  	[sflag:s15] =	ssyncadd.s32 $0xFFFFFFFF  }
0x96: {  	s16 =	sld [smem:$0x10];
	(tm) =	ssettm $0x1  }
0x97: {  	s17 =	sld [smem:$0x3FFB];
	_ =	sdelay $0x3  }
0x98: {  	_ =	strace s17  }
0x99: {  	s3 =	sld [smem:$0x3FFC];
	_ =	sdelay $0x3  }
0x9a: {  	_ =	strace s3  }
0x9b: {  	s3 =	sld [smem:$0x3FFD];
	_ =	sdelay $0x3  }
0x9c: {  	_ =	strace s3  }
0x9d: {  	_ =	strace $0x8FFFFFFF  }
0x9e: {  	s18 =	sld [smem:$0x3FDB];
	_ =	sdelay $0x1  }
0x9f: {  	s19 =	simm.s32 $_scs_section_size  }
0xa0: {  	s5 =	simm.s32 $_size__tile_overlayer_lowered;
	s6 =	simm.s32 $_tile_overlayer_lowered  }
0xa1: {  	s22 =	simm.s32 $0x1BFF;
	s21 =	sshll.u32 s6, $0x1;
	s3 =	sadd.s32 s19, s18  }
0xa2: {  	s7 =	simm.s32 $0x0;
	s20 =	sshll.u32 s5, $0x1;
	s5 =	sadd.s32 s21, s3  }
0xa3: {  	[timem:s7], [sflag:s22] =	dma.local [hbm:s5], s20  }
0xa4: {  	_ =	swait.ge [sflag:s22], s20  }
0xa5: {  	s4 =	ssub.s32 $0x0, s20;
	[sflag:s22] =	ssyncset.done $0x0  }
0xa6: {  	[sflag:s22] =	ssyncadd.s32 s4;
	_ =	sdelay $0x1  }
0xa7: {  	s23 =	simm.s32 $0x1B8B  }
0xa8: {  	_ =	swait.ge [sflag:s23], $0x1  }
0xa9: {  	[sflag:s23] =	ssyncset.done $0x0  }
0xaa: {  	s25 =	simm.s32 $0x1B8E;
	s24 =	sld [smem:$0x3FFE];
	[sflag:s23] =	ssyncadd.s32 $0xFFFFFFFF  }
0xab: {  	s26 =	simm.s32 $execute0_lowered;
	[smem:$0x3FD2] =	sst s25  }
0xac: {  	s5 =	sshll.u32 s26, $0x1;
	_ =	strace $0x80000046;
	[dreg:$0x1] =	wrdreg $0xFFFFFFFF  }
0xad: {  	s28 =	simm.s32 $_size_execute0_lowered;
	s3 =	sadd.s32 s3, s5;
	[dreg:$0x0] =	wrdreg $0x0  }
0xae: {  	s5 =	sshll.u32 s28, $0x1;
	[dreg:$0x2] =	wrdreg s3  }
0xaf: {  	[dreg:$0x3] =	wrdreg s5  }
0xb0: {  	[dreg:$0x4] =	wrdreg $0xC0  }
0xb1: {  	_ =	task [dreg:s7], $0x5FFFF  }
0xb2: {  	[dreg:$0x1] =	wrdreg $0xFFFFFFFF  }
0xb3: {  	[dreg:$0x0] =	wrdreg $0x60  }
0xb4: {  	[dreg:$0x2] =	wrdreg s24  }
0xb5: {  	[dreg:$0x3] =	wrdreg s16  }
0xb6: {  	[dreg:$0x4] =	wrdreg $0x9  }
0xb7: {  	_ =	task.clear_ibuf [dreg:s7], $0x5FFFF;
	_ =	strace $0x90000046  }
0xb8: {  	s29 =	simm.s32 $0x9;
	_ =	strace $0x80000048  }
0xb9: {  	_ =	swait.ge [sflag:s29], $0x1  }
0xba: {  	[sflag:s29] =	ssyncadd.s32 $0xFFFFFFFF  }
0xbb: {  	_ =	strace $0x90000048  }
0xbc: {  	_ =	sfence  }
0xbd: {  	s30 =	sld [smem:$0x0];
	_ =	sdelay $0x2  }
0xbe: {  	s31 =	sshll.u32 s1, $0xD;
	s1 =	sshrl.u32 s1, $0x2  }
0xbf: {  	s3 =	sand.u32 $0x4000, s31;
	s1 =	sadd.s32 s1, s30  }
0xc0: {  	s0 =	sor.u32 s3, s0;
	s1 =	sshll.u32 s1, $0x11  }
0xc1: {  	s0 =	sor.u32 s1, s0  }
0xc2: {  	s0 =	sadd.s32 $0x8F2B, s0  }
0xc3: {  	[sflag:s0] =	ssyncadd.remote.s32 $0x1  }
0xc4: {  	_ =	sfence.sel $0xFFFF  }
0xc5: {  	[dreg:$0x0] =	wrdreg $0xFFFFFFFF;
	(pc) =	sbr.abs _section_cstart, $3  }
0xc6: {  	[dreg:$0x1] =	wrdreg $0xFFFFFFFF  }
0xc7: {  	_ =	task.clear_ibuf [dreg:s7], $0x2FFFF;
	_ =	strace $0x9FFFFFFF  }
0xc8: {  	(tm) =	ssettm $0x7FFFFFFF  }
0xc9: {  	_ =	shalt  }
tec
execute0_lowered:
.L_overlay_start_1:
0x0: {  	(tag) =	ssettag $0x1  }
0x1: {  	s4 =	rddreg [dreg:$0x0]  }
0x2: {  	s6 =	rddreg [dreg:$0x1]  }
0x3: {  	s0 =	rddreg [dreg:$0x2]  }
0x4: {  	s2 =	simm.s32 $0x0;
	s3 =	srdreg.scid;
	s1 =	stileid.u32  }
0x5: {  	s11 =	simm.s32 $0x1400;
	s12 =	simm.s32 $0x1800;
	s13 =	simm.s32 $0x3800  }
0x6: {  	s14 =	simm.s32 $0x0;
	s5 =	sand.u32 $0x1, s3;
	s7 =	sshll.u32 s1, $0x1  }
0x7: {  	[smem:$0x7FF] =	sst s2;
	s3 =	sadd.s32 $0x3200, s4;
	s7 =	sor.u32 s5, s7  }
0x8: {  	_ =	strace $0x80000047;
	s5 =	ssub.s32 $0x2, s5;
	s8 =	sshll.u32 s7, $0x7  }
0x9: {  	s7 =	sshll.u32 s7, $0xA;
	s31 =	sshrl.u32 s5, $0x1;
	s8 =	sadd.s32 s8, s4  }
0xa: {  	s9 =	sadd.s32 s7, s4;
	s10 =	ssub.s32 s5, s31;
	s6 =	sadd.s32 s6, s7  }
0xb: {  	v0 =	vlaneseq.u32;
	s4 =	sadd.s32 $0x2200, s8;
	s5 =	sadd.s32 $0x1200, s8;
	s7 =	sadd.s32 $0x3400, s9  }
0xc: {  	v1 =	vand.u32 $0x7, v0;
	s8 =	smax.u32 s10, $0x1;
	s9 =	simm.s32 $0x1;
	s10 =	simm.s32 $0x1000  }
.LBB2_1:
0xd: {  	[tilespmem:s2], [sflag:$0x1] =	stream.linear.gather [hbm4b:s3+s2], $0x1000, $0x38;
	[tilespmem:$0x5800] =	vst v63  }
0xe: {  	_ =	swait.ge [sflag:s9], $0x1000  }
0xf: {  	[sflag:s9] =	ssyncset.done $0x0  }
0x10: {  	[sflag:s9] =	ssyncadd.s32 $0xFFFFF000  }
0x11: {  	[tilespmem:s10], [sflag:$0x1] =	stream.linear.gather [hbm4b:s4+s2], $0x400, $0x38;
	[tilespmem:$0x5800] =	vst v63  }
0x12: {  	_ =	swait.ge [sflag:s9], $0x400  }
0x13: {  	[sflag:s9] =	ssyncset.done $0x0  }
0x14: {  	[sflag:s9] =	ssyncadd.s32 $0xFFFFFC00  }
0x15: {  	[tilespmem:s11], [sflag:$0x1] =	stream.linear.gather [hbm4b:s5+s2], $0x400, $0x38;
	[tilespmem:$0x5800] =	vst v63  }
0x16: {  	_ =	swait.ge [sflag:s9], $0x400  }
0x17: {  	s15 =	simm.s32 $0xFFFFFFF8;
	s16 =	simm.s32 $0x70;
	[sflag:s9] =	ssyncset.done $0x0  }
0x18: {  	s17 =	simm.s32 $0x1840;
	s18 =	simm.s32 $0x3840;
	[sflag:s9] =	ssyncadd.s32 $0xFFFFFC00  }
.LBB2_2:
0x19: {  	s19 =	sadd.s32 $0xFFFFFF90, s16  }
0x1a: {  	v2 =	vor.u32 s19, v0  }
0x1b: {  	v2 =	vshrl.u32 v2, $0x3;
	_ =	sdelay $0x4  }
0x1c: {  	v3 =	vld.idx.msk [tilespmem:v2+s10+$0x0], $0xffff;
	_ =	sdelay $0x4  }
0x1d: {  	v3 =	vshll.u32 v3, $0x3  }
0x1e: {  	v3 =	vor.u32 v1, v3;
	_ =	sdelay $0x4  }
0x1f: {  	v3 =	vld.idx.msk [tilespmem:v3+s2+$0x0], $0xffff;
	_ =	sdelay $0x4  }
0x20: {  	[tilespmem:s17+$0xFFFFFFC0] =	vst v3  }
0x21: {  	v2 =	vld.idx.msk [tilespmem:v2+s11+$0x0], $0xffff;
	_ =	sdelay $0x4  }
0x22: {  	v2 =	vshll.u32 v2, $0x3  }
0x23: {  	v2 =	vor.u32 v1, v2;
	_ =	sdelay $0x3  }
0x24: {  	s25 =	sadd.s32 $0xFFFFFFA0, s16  }
0x25: {  	v3 =	vor.u32 s25, v0;
	v2 =	vld.idx.msk [tilespmem:v2+s2+$0x0], $0xffff  }
0x26: {  	v3 =	vshrl.u32 v3, $0x3;
	_ =	sdelay $0x3  }
0x27: {  	[tilespmem:s18+$0xFFFFFFC0] =	vst v2  }
0x28: {  	v2 =	vld.idx.msk [tilespmem:v3+s10+$0x0], $0xffff;
	_ =	sdelay $0x4  }
0x29: {  	v2 =	vshll.u32 v2, $0x3  }
0x2a: {  	v2 =	vor.u32 v1, v2;
	_ =	sdelay $0x4  }
0x2b: {  	v2 =	vld.idx.msk [tilespmem:v2+s2+$0x0], $0xffff;
	_ =	sdelay $0x4  }
0x2c: {  	[tilespmem:s17+$0xFFFFFFD0] =	vst v2  }
0x2d: {  	v2 =	vld.idx.msk [tilespmem:v3+s11+$0x0], $0xffff;
	_ =	sdelay $0x4  }
0x2e: {  	v2 =	vshll.u32 v2, $0x3  }
0x2f: {  	v2 =	vor.u32 v1, v2;
	_ =	sdelay $0x3  }
0x30: {  	s26 =	sadd.s32 $0xFFFFFFB0, s16  }
0x31: {  	v3 =	vor.u32 s26, v0;
	v2 =	vld.idx.msk [tilespmem:v2+s2+$0x0], $0xffff  }
0x32: {  	v3 =	vshrl.u32 v3, $0x3;
	_ =	sdelay $0x3  }
0x33: {  	[tilespmem:s18+$0xFFFFFFD0] =	vst v2  }
0x34: {  	v2 =	vld.idx.msk [tilespmem:v3+s10+$0x0], $0xffff;
	_ =	sdelay $0x4  }
0x35: {  	v2 =	vshll.u32 v2, $0x3  }
0x36: {  	v2 =	vor.u32 v1, v2;
	_ =	sdelay $0x4  }
0x37: {  	v2 =	vld.idx.msk [tilespmem:v2+s2+$0x0], $0xffff;
	_ =	sdelay $0x4  }
0x38: {  	[tilespmem:s17+$0xFFFFFFE0] =	vst v2  }
0x39: {  	v2 =	vld.idx.msk [tilespmem:v3+s11+$0x0], $0xffff;
	_ =	sdelay $0x4  }
0x3a: {  	v2 =	vshll.u32 v2, $0x3  }
0x3b: {  	v2 =	vor.u32 v1, v2;
	_ =	sdelay $0x3  }
0x3c: {  	s28 =	sadd.s32 $0xFFFFFFC0, s16  }
0x3d: {  	v3 =	vor.u32 s28, v0;
	v2 =	vld.idx.msk [tilespmem:v2+s2+$0x0], $0xffff  }
0x3e: {  	v3 =	vshrl.u32 v3, $0x3;
	_ =	sdelay $0x3  }
0x3f: {  	[tilespmem:s18+$0xFFFFFFE0] =	vst v2  }
0x40: {  	v2 =	vld.idx.msk [tilespmem:v3+s10+$0x0], $0xffff;
	_ =	sdelay $0x4  }
0x41: {  	v2 =	vshll.u32 v2, $0x3  }
0x42: {  	v2 =	vor.u32 v1, v2;
	_ =	sdelay $0x4  }
0x43: {  	v2 =	vld.idx.msk [tilespmem:v2+s2+$0x0], $0xffff;
	_ =	sdelay $0x4  }
0x44: {  	[tilespmem:s17+$0xFFFFFFF0] =	vst v2  }
0x45: {  	v2 =	vld.idx.msk [tilespmem:v3+s11+$0x0], $0xffff;
	_ =	sdelay $0x4  }
0x46: {  	v2 =	vshll.u32 v2, $0x3  }
0x47: {  	v2 =	vor.u32 v1, v2;
	_ =	sdelay $0x3  }
0x48: {  	s29 =	sadd.s32 $0xFFFFFFD0, s16  }
0x49: {  	v3 =	vor.u32 s29, v0;
	v2 =	vld.idx.msk [tilespmem:v2+s2+$0x0], $0xffff  }
0x4a: {  	v3 =	vshrl.u32 v3, $0x3;
	_ =	sdelay $0x3  }
0x4b: {  	[tilespmem:s18+$0xFFFFFFF0] =	vst v2  }
0x4c: {  	v2 =	vld.idx.msk [tilespmem:v3+s10+$0x0], $0xffff;
	_ =	sdelay $0x4  }
0x4d: {  	v2 =	vshll.u32 v2, $0x3  }
0x4e: {  	v2 =	vor.u32 v1, v2;
	_ =	sdelay $0x4  }
0x4f: {  	v2 =	vld.idx.msk [tilespmem:v2+s2+$0x0], $0xffff;
	_ =	sdelay $0x4  }
0x50: {  	[tilespmem:s17+$0x0] =	vst v2  }
0x51: {  	v2 =	vld.idx.msk [tilespmem:v3+s11+$0x0], $0xffff;
	_ =	sdelay $0x4  }
0x52: {  	v2 =	vshll.u32 v2, $0x3  }
0x53: {  	v2 =	vor.u32 v1, v2;
	_ =	sdelay $0x3  }
0x54: {  	s30 =	sadd.s32 $0xFFFFFFE0, s16  }
0x55: {  	v3 =	vor.u32 s30, v0;
	v2 =	vld.idx.msk [tilespmem:v2+s2+$0x0], $0xffff  }
0x56: {  	v3 =	vshrl.u32 v3, $0x3;
	_ =	sdelay $0x3  }
0x57: {  	[tilespmem:s18+$0x0] =	vst v2  }
0x58: {  	v2 =	vld.idx.msk [tilespmem:v3+s10+$0x0], $0xffff;
	_ =	sdelay $0x4  }
0x59: {  	v2 =	vshll.u32 v2, $0x3  }
0x5a: {  	v2 =	vor.u32 v1, v2;
	_ =	sdelay $0x4  }
0x5b: {  	v2 =	vld.idx.msk [tilespmem:v2+s2+$0x0], $0xffff;
	_ =	sdelay $0x4  }
0x5c: {  	[tilespmem:s17+$0x10] =	vst v2  }
0x5d: {  	v2 =	vld.idx.msk [tilespmem:v3+s11+$0x0], $0xffff;
	_ =	sdelay $0x4  }
0x5e: {  	v2 =	vshll.u32 v2, $0x3  }
0x5f: {  	v2 =	vor.u32 v1, v2;
	_ =	sdelay $0x3  }
0x60: {  	s31 =	sadd.s32 $0xFFFFFFF0, s16  }
0x61: {  	v3 =	vor.u32 s31, v0;
	v2 =	vld.idx.msk [tilespmem:v2+s2+$0x0], $0xffff  }
0x62: {  	v3 =	vshrl.u32 v3, $0x3;
	_ =	sdelay $0x3  }
0x63: {  	[tilespmem:s18+$0x10] =	vst v2  }
0x64: {  	v2 =	vld.idx.msk [tilespmem:v3+s10+$0x0], $0xffff;
	_ =	sdelay $0x4  }
0x65: {  	v2 =	vshll.u32 v2, $0x3  }
0x66: {  	v2 =	vor.u32 v1, v2;
	_ =	sdelay $0x4  }
0x67: {  	v2 =	vld.idx.msk [tilespmem:v2+s2+$0x0], $0xffff;
	_ =	sdelay $0x4  }
0x68: {  	[tilespmem:s17+$0x20] =	vst v2  }
0x69: {  	v2 =	vld.idx.msk [tilespmem:v3+s11+$0x0], $0xffff;
	_ =	sdelay $0x4  }
0x6a: {  	v2 =	vshll.u32 v2, $0x3  }
0x6b: {  	v2 =	vor.u32 v1, v2;
	_ =	sdelay $0x4  }
0x6c: {  	v3 =	vor.u32 s16, v0;
	v2 =	vld.idx.msk [tilespmem:v2+s2+$0x0], $0xffff  }
0x6d: {  	v3 =	vshrl.u32 v3, $0x3;
	_ =	sdelay $0x3  }
0x6e: {  	[tilespmem:s18+$0x20] =	vst v2  }
0x6f: {  	v2 =	vld.idx.msk [tilespmem:v3+s10+$0x0], $0xffff;
	_ =	sdelay $0x4  }
0x70: {  	v2 =	vshll.u32 v2, $0x3  }
0x71: {  	v2 =	vor.u32 v1, v2;
	_ =	sdelay $0x4  }
0x72: {  	v2 =	vld.idx.msk [tilespmem:v2+s2+$0x0], $0xffff;
	_ =	sdelay $0x4  }
0x73: {  	[tilespmem:s17+$0x30] =	vst v2  }
0x74: {  	v2 =	vld.idx.msk [tilespmem:v3+s11+$0x0], $0xffff;
	_ =	sdelay $0x4  }
0x75: {  	v2 =	vshll.u32 v2, $0x3  }
0x76: {  	v2 =	vor.u32 v1, v2;
	_ =	sdelay $0x3  }
0x77: {  	s15 =	sadd.s32 $0x8, s15  }
0x78: {  	p0 =	slt.u32 s15, $0x1F8;
	v2 =	vld.idx.msk [tilespmem:v2+s2+$0x0], $0xffff  }
.Ltmp0:
0x79: {  	_ = 	snop;
	(pc) =	sbr.rel @p0 .LBB2_2-.Ltmp0, $2  }
0x7a: {  	_ =	sdelay $0x2  }
0x7b: {  	s16 =	sadd.s32 $0x80, s16;
	s17 =	sadd.s32 $0x80, s17;
	[tilespmem:s18+$0x30] =	vst v2;
	s18 =	sadd.s32 $0x80, s18  }
0x7c: {  	[hbm4b:s6+s2] =	stream.linear.scatter [tilespmem:s12], [sflag:$0x1], $0x2000, $0x38;
	[tilespmem:$0x5800] =	vst v63  }
0x7d: {  	s14 =	sadd.s32 $0x1, s14;
	_ =	swait.ge [sflag:s9], $0x2000  }
0x7e: {  	p0 =	sne.s32 s14, s8;
	[sflag:s9] =	ssyncset.done $0x0  }
.Ltmp1:
0x7f: {  	[sflag:s9] =	ssyncadd.s32 $0xFFFFE000;
	(pc) =	sbr.rel @p0 .LBB2_1-.Ltmp1, $4  }
0x80: {  	[hbm4b:s7+s2] =	stream.linear.scatter [tilespmem:s13], [sflag:$0x1], $0x2000, $0x38;
	[tilespmem:$0x5800] =	vst v63  }
0x81: {  	_ =	swait.ge [sflag:s9], $0x2000  }
0x82: {  	[sflag:s9] =	ssyncset.done $0x0  }
0x83: {  	[sflag:s9] =	ssyncadd.s32 $0xFFFFE000  }
0x84: {  	_ =	sfence.sel $0x180000  }
0x85: {  	[bflag:$0x0] =	sbarrier.arrive $0xFFFF  }
0x86: {  	p0 =	sne.s32 s1, $0x0;
	_ =	strace $0x90000047  }
0x87: {  	s0 =	sadd.s32 @!p0 $0x100000, s0;
	[bflag:$0x2] =	sbarrier.arrive $0xFFFF  }
0x88: {  	[sflag:s0] =	ssyncadd.tile.s32 @!p0 $0x1;
	_ =	shalt  }
.Lfunc_end2:
_tile_overlayer_lowered:
.L_overlay_start_2:
0x89: {  	(tag) =	ssettag $0x2  }
0x8a: {  	s0 =	rddreg [dreg:$0x0];
	s2 =	stileid.u32  }
0x8b: {  	s1 =	rddreg [dreg:$0x1];
	p0 =	sne.s32 s2, $0x0  }
0x8c: {  	s3 =	rddreg [dreg:$0x2];
	[bflag:$0x3] =	sbarrier.arrive $0xFFFF;
	s2 =	simm.s32 @!p0 $0x1C01  }
0x8d: {  	[timem:s3], [sflag:s2] =	dma.local @!p0 [hbm:s0], s1  }
0x8e: {  	s0 =	simm.s32 @!p0 $0x1  }
0x8f: {  	_ =	swait.ge @!p0 [sflag:s0], s1  }
0x90: {  	s1 =	ssub.s32 @!p0 $0x0, s1;
	[sflag:s0] =	ssyncset.done @!p0 $0x0  }
0x91: {  	[sflag:s0] =	ssyncadd.s32 @!p0 s1  }
0x92: {  	[bflag:$0x3] =	sbarrier.arrive $0xFFFF  }
0x93: {  	_ =	shalt  }

</sc_bundles>
